<compile_context>
chip_gen: v7x
topology: tpu7x:2x2x1
jax: 0.10.2.dev20260603
libtpu: 0.0.44.dev20260713+nightly
codegen_flags: <defaults>
</compile_context>

<pallas_src>
import functools

import jax
import jax.numpy as jnp
from jax import lax
from jax.experimental import pallas as pl
from jax.experimental.pallas import tpu as pltpu
from jax.experimental.pallas import tpu_sc as plsc

N_ROWS = 320000
D_FEAT = 128
N_SEG = 10000
N_SEG_PAD = 10240

W_BLOCK = 125
N_STEPS_TC = 20

NUM_TILES = 16
WINDOW = 128
N_WINDOWS_REAL = N_ROWS // WINDOW
W_PER_TILE = 160
N_WINDOWS = NUM_TILES * W_PER_TILE


N_STR = 2
WQ = N_WINDOWS_REAL // N_STR
WB = 125
N_STEPS_STR = WQ // WB


def _matvec_body(*refs):
    t_refs = refs[:N_STR]
    x_ref, w_ref = refs[N_STR], refs[N_STR + 1]
    s_refs = refs[N_STR + 2:]
    v_row = jnp.dot(w_ref[...], x_ref[...], preferred_element_type=jnp.float32)
    v = v_row[0][None, None, :]
    for t_ref, s_ref in zip(t_refs, s_refs):
        s_ref[...] = jnp.sum(t_ref[...] * v, axis=2)[None]


def _make_t_spec(k):
    return pl.BlockSpec((WB, 128, D_FEAT), lambda i, k=k: (k * N_STEPS_STR + i, 0, 0))


def _rowdot(T3, X_pseudo, weights):
    outs = pl.pallas_call(
        _matvec_body,
        grid=(N_STEPS_STR,),
        in_specs=[_make_t_spec(k) for k in range(N_STR)]
        + [
            pl.BlockSpec((512, D_FEAT), lambda i: (0, 0)),
            pl.BlockSpec((1, 512), lambda i: (0, 0)),
        ],
        out_specs=[
            pl.BlockSpec((1, WB, WINDOW), lambda i: (i, 0, 0))
            for _ in range(N_STR)
        ],
        out_shape=[
            jax.ShapeDtypeStruct((N_STEPS_STR, WB, WINDOW), jnp.float32)
            for _ in range(N_STR)
        ],
    )(*([T3] * N_STR), X_pseudo, weights)
    return outs


def _segsum_tec(
    ids_hbm, s_hbm, out_hbm, idx_v, upd_v, zero_v, stage_v, acc_shared,
    sem_stage, sem_scat
):
    tid = lax.axis_index("s")

    d_idx = pltpu.async_copy(
        ids_hbm.at[pl.ds(tid * W_PER_TILE, W_PER_TILE)], idx_v, sem_stage
    )
    d_upd = pltpu.async_copy(
        s_hbm.at[pl.ds(tid * W_PER_TILE, W_PER_TILE)], upd_v, sem_stage
    )

    for i in range(640 // 16):
        zero_v[pl.ds(i * 16, 16)] = jnp.zeros((16,), jnp.float32)
    pltpu.sync_copy(zero_v, acc_shared.at[pl.ds(tid * 640, 640)])
    plsc.subcore_barrier()
    d_idx.wait()
    d_upd.wait()

    n_w = jnp.minimum(W_PER_TILE, N_WINDOWS_REAL - tid * W_PER_TILE)
    G = 20

    def body(g, carry):
        descs = [
            pltpu.async_copy(
                upd_v.at[g * G + j],
                acc_shared.at[idx_v.at[g * G + j]],
                sem_scat,
                add=True,
            )
            for j in range(G)
        ]
        for d in descs:
            d.wait()
        return carry

    lax.fori_loop(0, n_w // G, body, 0)
    plsc.subcore_barrier()

    @pl.when(tid < 15)
    def _():
        pltpu.sync_copy(acc_shared.at[pl.ds(tid * 640, 640)], stage_v)
        pltpu.sync_copy(stage_v, out_hbm.at[pl.ds(tid * 640, 640)])

    @pl.when(tid == 15)
    def _():
        pltpu.sync_copy(acc_shared.at[pl.ds(9600, 400)], stage_v.at[pl.ds(0, 400)])
        pltpu.sync_copy(stage_v.at[pl.ds(0, 400)], out_hbm.at[pl.ds(9600, 400)])


def _segment_sum_sc(ids2d, s2d):
    mesh = plsc.VectorSubcoreMesh(
        core_axis_name="c", subcore_axis_name="s", num_cores=1
    )
    f = pl.kernel(
        _segsum_tec,
        out_type=jax.ShapeDtypeStruct((N_SEG,), jnp.float32),
        mesh=mesh,
        scratch_types=[
            pltpu.VMEM((W_PER_TILE, WINDOW), jnp.int32),
            pltpu.VMEM((W_PER_TILE, WINDOW), jnp.float32),
            pltpu.VMEM((640,), jnp.float32),
            pltpu.VMEM((640,), jnp.float32),
            pltpu.VMEM_SHARED((N_SEG_PAD,), jnp.float32),
            pltpu.SemaphoreType.DMA,
            pltpu.SemaphoreType.DMA,
        ],
    )
    return f(ids2d, s2d)


def kernel(T, segment_ids, X_pseudo, weights):
    T3 = T.reshape(N_WINDOWS_REAL, WINDOW, D_FEAT)
    s3d = jnp.concatenate(_rowdot(T3, X_pseudo, weights), axis=0)
    pad = N_WINDOWS - N_WINDOWS_REAL
    s2d = jnp.concatenate(
        [s3d.reshape(N_WINDOWS_REAL, WINDOW), jnp.zeros((pad, WINDOW), jnp.float32)]
    )
    ids2d = jnp.concatenate(
        [
            segment_ids.astype(jnp.int32).reshape(N_WINDOWS_REAL, WINDOW),
            jnp.zeros((pad, WINDOW), jnp.int32),
        ]
    )
    out = _segment_sum_sc(ids2d, s2d)
    return out.reshape(N_SEG, 1)

# --- scband reference (transcript-rebuilt; emitter-appended) ---
"""Pipeline reference for scband-torch-subsetof-regressors-13400297963824 (READ-ONLY COPY).

The authoritative reference and input builder live on the scoring server;
editing this copy changes nothing except your own understanding.
"""

import jax, jax.numpy as jnp
import numpy as np

NUM_SEGMENTS = 10000


def setup_inputs(seed: int = 0) -> dict:
    key = jax.random.key(seed)
    k1, k2, k3, k4 = jax.random.split(key, 4)
    T = jax.random.normal(k1, (320000, 128), dtype=jnp.float32)
    segment_ids = jnp.sort(jax.random.randint(k2, (320000,), 0, NUM_SEGMENTS))
    X_pseudo = jax.random.normal(k3, (512, 128), dtype=jnp.float32)
    weights = jax.random.normal(k4, (1, 512), dtype=jnp.float32) * 0.02
    return {"T": T, "segment_ids": segment_ids, "X_pseudo": X_pseudo, "weights": weights}


def reference(T, segment_ids, X_pseudo, weights):
    # TorchSubsetofRegressors.forward with linear aggregate kernel:
    # 1) aggregate_features(T): sum_over_samples over 'structure' -> segment_sum
    agg = jax.ops.segment_sum(T, segment_ids, num_segments=NUM_SEGMENTS)
    # 2) compute_kernel: metatensor.dot(agg, X_pseudo) = agg @ X_pseudo.T
    k_tm = agg @ X_pseudo.T
    # 3) metatensor.dot(k_tm, weights) = k_tm @ weights.T
    out = k_tm @ weights.T
    return out

if __name__ == "__main__":
    import jax
    _d = setup_inputs()
    print(jax.jit(kernel)(*tuple(_d.values())))

</pallas_src>

<mosaic_0001>
#map = affine_map<(d0, d1) -> (0, 0)>
#map1 = affine_map<(d0, d1) -> (0)>
module attributes {stable_mosaic.version = 14 : i64} {
  func.func @_segsum_tec(%arg0: i32, %arg1: i32, %arg2: memref<2560x128xi32, #tpu.memory_space<hbm>>, %arg3: memref<2560x128xf32, #tpu.memory_space<hbm>>, %arg4: memref<10000xf32, #tpu.memory_space<hbm>>, %arg5: memref<160x128xi32, #tpu.memory_space<vmem>>, %arg6: memref<160x128xf32, #tpu.memory_space<vmem>>, %arg7: memref<640xf32, #tpu.memory_space<vmem>>, %arg8: memref<640xf32, #tpu.memory_space<vmem>>, %arg9: memref<10240xf32, #tpu.memory_space<vmem_shared>>, %arg10: memref<!tpu.dma_semaphore, #tpu.memory_space<semaphore_mem>>, %arg11: memref<!tpu.dma_semaphore, #tpu.memory_space<semaphore_mem>>) attributes {dimension_semantics = [#tpu.dimension_semantics<core_parallel>, #tpu.dimension_semantics<subcore_parallel>], iteration_bounds = array<i64: 1, 16>, scalar_prefetch = 0 : i64, scratch_operands = 7 : i64, tpu.core_type = #tpu.core_type<sc_vector_subcore>, window_params = [{transform_indices = #map}, {transform_indices = #map}, {transform_indices = #map1}]} {
    %mul3A = arith.constant 160 : i32
    %mul3A_0 = arith.muli %arg1, %mul3A : i32
    %dma_start3A = arith.constant 0 : i32
    %dma_start3A_1 = tpu.memref_slice %arg2[%mul3A_0, %dma_start3A] : memref<2560x128xi32, #tpu.memory_space<hbm>> -> memref<160x128xi32, #tpu.memory_space<hbm>>
    %dma_start3A_2 = arith.constant 0 : i32
    %dma_start3A_3 = tpu.memref_slice %arg2[%mul3A_0, %dma_start3A_2] : memref<2560x128xi32, #tpu.memory_space<hbm>> -> memref<160x128xi32, #tpu.memory_space<hbm>>
    tpu.enqueue_dma source(%dma_start3A_3 : memref<160x128xi32, #tpu.memory_space<hbm>>) target(%arg5 : memref<160x128xi32, #tpu.memory_space<vmem>>) target_semaphore(%arg10 : memref<!tpu.dma_semaphore, #tpu.memory_space<semaphore_mem>>)
    %mul3A_4 = arith.constant 160 : i32
    %mul3A_5 = arith.muli %arg1, %mul3A_4 : i32
    %dma_start3A_6 = arith.constant 0 : i32
    %dma_start3A_7 = tpu.memref_slice %arg3[%mul3A_5, %dma_start3A_6] : memref<2560x128xf32, #tpu.memory_space<hbm>> -> memref<160x128xf32, #tpu.memory_space<hbm>>
    %dma_start3A_8 = arith.constant 0 : i32
    %dma_start3A_9 = tpu.memref_slice %arg3[%mul3A_5, %dma_start3A_8] : memref<2560x128xf32, #tpu.memory_space<hbm>> -> memref<160x128xf32, #tpu.memory_space<hbm>>
    tpu.enqueue_dma source(%dma_start3A_9 : memref<160x128xf32, #tpu.memory_space<hbm>>) target(%arg6 : memref<160x128xf32, #tpu.memory_space<vmem>>) target_semaphore(%arg10 : memref<!tpu.dma_semaphore, #tpu.memory_space<semaphore_mem>>)
    %broadcast_in_dim3A = arith.constant 0.000000e+00 : f32
    %broadcast_in_dim3A_10 = vector.broadcast %broadcast_in_dim3A : f32 to vector<16xf32>
    %swap3A = arith.constant 0 : index
    %swap3A_11 = tpu.vector_load %arg7[%swap3A] {strides = array<i32>} : memref<640xf32, #tpu.memory_space<vmem>>, vector<16xf32>,
    %swap3A_12 = vector.shape_cast %swap3A_11 : vector<16xf32> to vector<16xf32>
    %swap3A_13 = vector.shape_cast %broadcast_in_dim3A_10 : vector<16xf32> to vector<16xf32>
    tpu.vector_store %arg7[%swap3A], %swap3A_13 {strides = array<i32>} : memref<640xf32, #tpu.memory_space<vmem>>, vector<16xf32>,
    %broadcast_in_dim3A_14 = arith.constant 0.000000e+00 : f32
    %broadcast_in_dim3A_15 = vector.broadcast %broadcast_in_dim3A_14 : f32 to vector<16xf32>
    %swap3A_16 = arith.constant 16 : index
    %swap3A_17 = tpu.vector_load %arg7[%swap3A_16] {strides = array<i32>} : memref<640xf32, #tpu.memory_space<vmem>>, vector<16xf32>,
    %swap3A_18 = vector.shape_cast %swap3A_17 : vector<16xf32> to vector<16xf32>
    %swap3A_19 = vector.shape_cast %broadcast_in_dim3A_15 : vector<16xf32> to vector<16xf32>
    tpu.vector_store %arg7[%swap3A_16], %swap3A_19 {strides = array<i32>} : memref<640xf32, #tpu.memory_space<vmem>>, vector<16xf32>,
    %broadcast_in_dim3A_20 = arith.constant 0.000000e+00 : f32
    %broadcast_in_dim3A_21 = vector.broadcast %broadcast_in_dim3A_20 : f32 to vector<16xf32>
    %swap3A_22 = arith.constant 32 : index
    %swap3A_23 = tpu.vector_load %arg7[%swap3A_22] {strides = array<i32>} : memref<640xf32, #tpu.memory_space<vmem>>, vector<16xf32>,
    %swap3A_24 = vector.shape_cast %swap3A_23 : vector<16xf32> to vector<16xf32>
    %swap3A_25 = vector.shape_cast %broadcast_in_dim3A_21 : vector<16xf32> to vector<16xf32>
    tpu.vector_store %arg7[%swap3A_22], %swap3A_25 {strides = array<i32>} : memref<640xf32, #tpu.memory_space<vmem>>, vector<16xf32>,
    %broadcast_in_dim3A_26 = arith.constant 0.000000e+00 : f32
    %broadcast_in_dim3A_27 = vector.broadcast %broadcast_in_dim3A_26 : f32 to vector<16xf32>
    %swap3A_28 = arith.constant 48 : index
    %swap3A_29 = tpu.vector_load %arg7[%swap3A_28] {strides = array<i32>} : memref<640xf32, #tpu.memory_space<vmem>>, vector<16xf32>,
    %swap3A_30 = vector.shape_cast %swap3A_29 : vector<16xf32> to vector<16xf32>
    %swap3A_31 = vector.shape_cast %broadcast_in_dim3A_27 : vector<16xf32> to vector<16xf32>
    tpu.vector_store %arg7[%swap3A_28], %swap3A_31 {strides = array<i32>} : memref<640xf32, #tpu.memory_space<vmem>>, vector<16xf32>,
    %broadcast_in_dim3A_32 = arith.constant 0.000000e+00 : f32
    %broadcast_in_dim3A_33 = vector.broadcast %broadcast_in_dim3A_32 : f32 to vector<16xf32>
    %swap3A_34 = arith.constant 64 : index
    %swap3A_35 = tpu.vector_load %arg7[%swap3A_34] {strides = array<i32>} : memref<640xf32, #tpu.memory_space<vmem>>, vector<16xf32>,
    %swap3A_36 = vector.shape_cast %swap3A_35 : vector<16xf32> to vector<16xf32>
    %swap3A_37 = vector.shape_cast %broadcast_in_dim3A_33 : vector<16xf32> to vector<16xf32>
    tpu.vector_store %arg7[%swap3A_34], %swap3A_37 {strides = array<i32>} : memref<640xf32, #tpu.memory_space<vmem>>, vector<16xf32>,
    %broadcast_in_dim3A_38 = arith.constant 0.000000e+00 : f32
    %broadcast_in_dim3A_39 = vector.broadcast %broadcast_in_dim3A_38 : f32 to vector<16xf32>
    %swap3A_40 = arith.constant 80 : index
    %swap3A_41 = tpu.vector_load %arg7[%swap3A_40] {strides = array<i32>} : memref<640xf32, #tpu.memory_space<vmem>>, vector<16xf32>,
    %swap3A_42 = vector.shape_cast %swap3A_41 : vector<16xf32> to vector<16xf32>
    %swap3A_43 = vector.shape_cast %broadcast_in_dim3A_39 : vector<16xf32> to vector<16xf32>
    tpu.vector_store %arg7[%swap3A_40], %swap3A_43 {strides = array<i32>} : memref<640xf32, #tpu.memory_space<vmem>>, vector<16xf32>,
    %broadcast_in_dim3A_44 = arith.constant 0.000000e+00 : f32
    %broadcast_in_dim3A_45 = vector.broadcast %broadcast_in_dim3A_44 : f32 to vector<16xf32>
    %swap3A_46 = arith.constant 96 : index
    %swap3A_47 = tpu.vector_load %arg7[%swap3A_46] {strides = array<i32>} : memref<640xf32, #tpu.memory_space<vmem>>, vector<16xf32>,
    %swap3A_48 = vector.shape_cast %swap3A_47 : vector<16xf32> to vector<16xf32>
    %swap3A_49 = vector.shape_cast %broadcast_in_dim3A_45 : vector<16xf32> to vector<16xf32>
    tpu.vector_store %arg7[%swap3A_46], %swap3A_49 {strides = array<i32>} : memref<640xf32, #tpu.memory_space<vmem>>, vector<16xf32>,
    %broadcast_in_dim3A_50 = arith.constant 0.000000e+00 : f32
    %broadcast_in_dim3A_51 = vector.broadcast %broadcast_in_dim3A_50 : f32 to vector<16xf32>
    %swap3A_52 = arith.constant 112 : index
    %swap3A_53 = tpu.vector_load %arg7[%swap3A_52] {strides = array<i32>} : memref<640xf32, #tpu.memory_space<vmem>>, vector<16xf32>,
    %swap3A_54 = vector.shape_cast %swap3A_53 : vector<16xf32> to vector<16xf32>
    %swap3A_55 = vector.shape_cast %broadcast_in_dim3A_51 : vector<16xf32> to vector<16xf32>
    tpu.vector_store %arg7[%swap3A_52], %swap3A_55 {strides = array<i32>} : memref<640xf32, #tpu.memory_space<vmem>>, vector<16xf32>,
    %broadcast_in_dim3A_56 = arith.constant 0.000000e+00 : f32
    %broadcast_in_dim3A_57 = vector.broadcast %broadcast_in_dim3A_56 : f32 to vector<16xf32>
    %swap3A_58 = arith.constant 128 : index
    %swap3A_59 = tpu.vector_load %arg7[%swap3A_58] {strides = array<i32>} : memref<640xf32, #tpu.memory_space<vmem>>, vector<16xf32>,
    %swap3A_60 = vector.shape_cast %swap3A_59 : vector<16xf32> to vector<16xf32>
    %swap3A_61 = vector.shape_cast %broadcast_in_dim3A_57 : vector<16xf32> to vector<16xf32>
    tpu.vector_store %arg7[%swap3A_58], %swap3A_61 {strides = array<i32>} : memref<640xf32, #tpu.memory_space<vmem>>, vector<16xf32>,
    %broadcast_in_dim3A_62 = arith.constant 0.000000e+00 : f32
    %broadcast_in_dim3A_63 = vector.broadcast %broadcast_in_dim3A_62 : f32 to vector<16xf32>
    %swap3A_64 = arith.constant 144 : index
    %swap3A_65 = tpu.vector_load %arg7[%swap3A_64] {strides = array<i32>} : memref<640xf32, #tpu.memory_space<vmem>>, vector<16xf32>,
    %swap3A_66 = vector.shape_cast %swap3A_65 : vector<16xf32> to vector<16xf32>
    %swap3A_67 = vector.shape_cast %broadcast_in_dim3A_63 : vector<16xf32> to vector<16xf32>
    tpu.vector_store %arg7[%swap3A_64], %swap3A_67 {strides = array<i32>} : memref<640xf32, #tpu.memory_space<vmem>>, vector<16xf32>,
    %broadcast_in_dim3A_68 = arith.constant 0.000000e+00 : f32
    %broadcast_in_dim3A_69 = vector.broadcast %broadcast_in_dim3A_68 : f32 to vector<16xf32>
    %swap3A_70 = arith.constant 160 : index
    %swap3A_71 = tpu.vector_load %arg7[%swap3A_70] {strides = array<i32>} : memref<640xf32, #tpu.memory_space<vmem>>, vector<16xf32>,
    %swap3A_72 = vector.shape_cast %swap3A_71 : vector<16xf32> to vector<16xf32>
    %swap3A_73 = vector.shape_cast %broadcast_in_dim3A_69 : vector<16xf32> to vector<16xf32>
    tpu.vector_store %arg7[%swap3A_70], %swap3A_73 {strides = array<i32>} : memref<640xf32, #tpu.memory_space<vmem>>, vector<16xf32>,
    %broadcast_in_dim3A_74 = arith.constant 0.000000e+00 : f32
    %broadcast_in_dim3A_75 = vector.broadcast %broadcast_in_dim3A_74 : f32 to vector<16xf32>
    %swap3A_76 = arith.constant 176 : index
    %swap3A_77 = tpu.vector_load %arg7[%swap3A_76] {strides = array<i32>} : memref<640xf32, #tpu.memory_space<vmem>>, vector<16xf32>,
    %swap3A_78 = vector.shape_cast %swap3A_77 : vector<16xf32> to vector<16xf32>
    %swap3A_79 = vector.shape_cast %broadcast_in_dim3A_75 : vector<16xf32> to vector<16xf32>
    tpu.vector_store %arg7[%swap3A_76], %swap3A_79 {strides = array<i32>} : memref<640xf32, #tpu.memory_space<vmem>>, vector<16xf32>,
    %broadcast_in_dim3A_80 = arith.constant 0.000000e+00 : f32
    %broadcast_in_dim3A_81 = vector.broadcast %broadcast_in_dim3A_80 : f32 to vector<16xf32>
    %swap3A_82 = arith.constant 192 : index
    %swap3A_83 = tpu.vector_load %arg7[%swap3A_82] {strides = array<i32>} : memref<640xf32, #tpu.memory_space<vmem>>, vector<16xf32>,
    %swap3A_84 = vector.shape_cast %swap3A_83 : vector<16xf32> to vector<16xf32>
    %swap3A_85 = vector.shape_cast %broadcast_in_dim3A_81 : vector<16xf32> to vector<16xf32>
    tpu.vector_store %arg7[%swap3A_82], %swap3A_85 {strides = array<i32>} : memref<640xf32, #tpu.memory_space<vmem>>, vector<16xf32>,
    %broadcast_in_dim3A_86 = arith.constant 0.000000e+00 : f32
    %broadcast_in_dim3A_87 = vector.broadcast %broadcast_in_dim3A_86 : f32 to vector<16xf32>
    %swap3A_88 = arith.constant 208 : index
    %swap3A_89 = tpu.vector_load %arg7[%swap3A_88] {strides = array<i32>} : memref<640xf32, #tpu.memory_space<vmem>>, vector<16xf32>,
    %swap3A_90 = vector.shape_cast %swap3A_89 : vector<16xf32> to vector<16xf32>
    %swap3A_91 = vector.shape_cast %broadcast_in_dim3A_87 : vector<16xf32> to vector<16xf32>
    tpu.vector_store %arg7[%swap3A_88], %swap3A_91 {strides = array<i32>} : memref<640xf32, #tpu.memory_space<vmem>>, vector<16xf32>,
    %broadcast_in_dim3A_92 = arith.constant 0.000000e+00 : f32
    %broadcast_in_dim3A_93 = vector.broadcast %broadcast_in_dim3A_92 : f32 to vector<16xf32>
    %swap3A_94 = arith.constant 224 : index
    %swap3A_95 = tpu.vector_load %arg7[%swap3A_94] {strides = array<i32>} : memref<640xf32, #tpu.memory_space<vmem>>, vector<16xf32>,
    %swap3A_96 = vector.shape_cast %swap3A_95 : vector<16xf32> to vector<16xf32>
    %swap3A_97 = vector.shape_cast %broadcast_in_dim3A_93 : vector<16xf32> to vector<16xf32>
    tpu.vector_store %arg7[%swap3A_94], %swap3A_97 {strides = array<i32>} : memref<640xf32, #tpu.memory_space<vmem>>, vector<16xf32>,
    %broadcast_in_dim3A_98 = arith.constant 0.000000e+00 : f32
    %broadcast_in_dim3A_99 = vector.broadcast %broadcast_in_dim3A_98 : f32 to vector<16xf32>
    %swap3A_100 = arith.constant 240 : index
    %swap3A_101 = tpu.vector_load %arg7[%swap3A_100] {strides = array<i32>} : memref<640xf32, #tpu.memory_space<vmem>>, vector<16xf32>,
    %swap3A_102 = vector.shape_cast %swap3A_101 : vector<16xf32> to vector<16xf32>
    %swap3A_103 = vector.shape_cast %broadcast_in_dim3A_99 : vector<16xf32> to vector<16xf32>
    tpu.vector_store %arg7[%swap3A_100], %swap3A_103 {strides = array<i32>} : memref<640xf32, #tpu.memory_space<vmem>>, vector<16xf32>,
    %broadcast_in_dim3A_104 = arith.constant 0.000000e+00 : f32
    %broadcast_in_dim3A_105 = vector.broadcast %broadcast_in_dim3A_104 : f32 to vector<16xf32>
    %swap3A_106 = arith.constant 256 : index
    %swap3A_107 = tpu.vector_load %arg7[%swap3A_106] {strides = array<i32>} : memref<640xf32, #tpu.memory_space<vmem>>, vector<16xf32>,
    %swap3A_108 = vector.shape_cast %swap3A_107 : vector<16xf32> to vector<16xf32>
    %swap3A_109 = vector.shape_cast %broadcast_in_dim3A_105 : vector<16xf32> to vector<16xf32>
    tpu.vector_store %arg7[%swap3A_106], %swap3A_109 {strides = array<i32>} : memref<640xf32, #tpu.memory_space<vmem>>, vector<16xf32>,
    %broadcast_in_dim3A_110 = arith.constant 0.000000e+00 : f32
    %broadcast_in_dim3A_111 = vector.broadcast %broadcast_in_dim3A_110 : f32 to vector<16xf32>
    %swap3A_112 = arith.constant 272 : index
    %swap3A_113 = tpu.vector_load %arg7[%swap3A_112] {strides = array<i32>} : memref<640xf32, #tpu.memory_space<vmem>>, vector<16xf32>,
    %swap3A_114 = vector.shape_cast %swap3A_113 : vector<16xf32> to vector<16xf32>
    %swap3A_115 = vector.shape_cast %broadcast_in_dim3A_111 : vector<16xf32> to vector<16xf32>
    tpu.vector_store %arg7[%swap3A_112], %swap3A_115 {strides = array<i32>} : memref<640xf32, #tpu.memory_space<vmem>>, vector<16xf32>,
    %broadcast_in_dim3A_116 = arith.constant 0.000000e+00 : f32
    %broadcast_in_dim3A_117 = vector.broadcast %broadcast_in_dim3A_116 : f32 to vector<16xf32>
    %swap3A_118 = arith.constant 288 : index
    %swap3A_119 = tpu.vector_load %arg7[%swap3A_118] {strides = array<i32>} : memref<640xf32, #tpu.memory_space<vmem>>, vector<16xf32>,
    %swap3A_120 = vector.shape_cast %swap3A_119 : vector<16xf32> to vector<16xf32>
    %swap3A_121 = vector.shape_cast %broadcast_in_dim3A_117 : vector<16xf32> to vector<16xf32>
    tpu.vector_store %arg7[%swap3A_118], %swap3A_121 {strides = array<i32>} : memref<640xf32, #tpu.memory_space<vmem>>, vector<16xf32>,
    %broadcast_in_dim3A_122 = arith.constant 0.000000e+00 : f32
    %broadcast_in_dim3A_123 = vector.broadcast %broadcast_in_dim3A_122 : f32 to vector<16xf32>
    %swap3A_124 = arith.constant 304 : index
    %swap3A_125 = tpu.vector_load %arg7[%swap3A_124] {strides = array<i32>} : memref<640xf32, #tpu.memory_space<vmem>>, vector<16xf32>,
    %swap3A_126 = vector.shape_cast %swap3A_125 : vector<16xf32> to vector<16xf32>
    %swap3A_127 = vector.shape_cast %broadcast_in_dim3A_123 : vector<16xf32> to vector<16xf32>
    tpu.vector_store %arg7[%swap3A_124], %swap3A_127 {strides = array<i32>} : memref<640xf32, #tpu.memory_space<vmem>>, vector<16xf32>,
    %broadcast_in_dim3A_128 = arith.constant 0.000000e+00 : f32
    %broadcast_in_dim3A_129 = vector.broadcast %broadcast_in_dim3A_128 : f32 to vector<16xf32>
    %swap3A_130 = arith.constant 320 : index
    %swap3A_131 = tpu.vector_load %arg7[%swap3A_130] {strides = array<i32>} : memref<640xf32, #tpu.memory_space<vmem>>, vector<16xf32>,
    %swap3A_132 = vector.shape_cast %swap3A_131 : vector<16xf32> to vector<16xf32>
    %swap3A_133 = vector.shape_cast %broadcast_in_dim3A_129 : vector<16xf32> to vector<16xf32>
    tpu.vector_store %arg7[%swap3A_130], %swap3A_133 {strides = array<i32>} : memref<640xf32, #tpu.memory_space<vmem>>, vector<16xf32>,
    %broadcast_in_dim3A_134 = arith.constant 0.000000e+00 : f32
    %broadcast_in_dim3A_135 = vector.broadcast %broadcast_in_dim3A_134 : f32 to vector<16xf32>
    %swap3A_136 = arith.constant 336 : index
    %swap3A_137 = tpu.vector_load %arg7[%swap3A_136] {strides = array<i32>} : memref<640xf32, #tpu.memory_space<vmem>>, vector<16xf32>,
    %swap3A_138 = vector.shape_cast %swap3A_137 : vector<16xf32> to vector<16xf32>
    %swap3A_139 = vector.shape_cast %broadcast_in_dim3A_135 : vector<16xf32> to vector<16xf32>
    tpu.vector_store %arg7[%swap3A_136], %swap3A_139 {strides = array<i32>} : memref<640xf32, #tpu.memory_space<vmem>>, vector<16xf32>,
    %broadcast_in_dim3A_140 = arith.constant 0.000000e+00 : f32
    %broadcast_in_dim3A_141 = vector.broadcast %broadcast_in_dim3A_140 : f32 to vector<16xf32>
    %swap3A_142 = arith.constant 352 : index
    %swap3A_143 = tpu.vector_load %arg7[%swap3A_142] {strides = array<i32>} : memref<640xf32, #tpu.memory_space<vmem>>, vector<16xf32>,
    %swap3A_144 = vector.shape_cast %swap3A_143 : vector<16xf32> to vector<16xf32>
    %swap3A_145 = vector.shape_cast %broadcast_in_dim3A_141 : vector<16xf32> to vector<16xf32>
    tpu.vector_store %arg7[%swap3A_142], %swap3A_145 {strides = array<i32>} : memref<640xf32, #tpu.memory_space<vmem>>, vector<16xf32>,
    %broadcast_in_dim3A_146 = arith.constant 0.000000e+00 : f32
    %broadcast_in_dim3A_147 = vector.broadcast %broadcast_in_dim3A_146 : f32 to vector<16xf32>
    %swap3A_148 = arith.constant 368 : index
    %swap3A_149 = tpu.vector_load %arg7[%swap3A_148] {strides = array<i32>} : memref<640xf32, #tpu.memory_space<vmem>>, vector<16xf32>,
    %swap3A_150 = vector.shape_cast %swap3A_149 : vector<16xf32> to vector<16xf32>
    %swap3A_151 = vector.shape_cast %broadcast_in_dim3A_147 : vector<16xf32> to vector<16xf32>
    tpu.vector_store %arg7[%swap3A_148], %swap3A_151 {strides = array<i32>} : memref<640xf32, #tpu.memory_space<vmem>>, vector<16xf32>,
    %broadcast_in_dim3A_152 = arith.constant 0.000000e+00 : f32
    %broadcast_in_dim3A_153 = vector.broadcast %broadcast_in_dim3A_152 : f32 to vector<16xf32>
    %swap3A_154 = arith.constant 384 : index
    %swap3A_155 = tpu.vector_load %arg7[%swap3A_154] {strides = array<i32>} : memref<640xf32, #tpu.memory_space<vmem>>, vector<16xf32>,
    %swap3A_156 = vector.shape_cast %swap3A_155 : vector<16xf32> to vector<16xf32>
    %swap3A_157 = vector.shape_cast %broadcast_in_dim3A_153 : vector<16xf32> to vector<16xf32>
    tpu.vector_store %arg7[%swap3A_154], %swap3A_157 {strides = array<i32>} : memref<640xf32, #tpu.memory_space<vmem>>, vector<16xf32>,
    %broadcast_in_dim3A_158 = arith.constant 0.000000e+00 : f32
    %broadcast_in_dim3A_159 = vector.broadcast %broadcast_in_dim3A_158 : f32 to vector<16xf32>
    %swap3A_160 = arith.constant 400 : index
    %swap3A_161 = tpu.vector_load %arg7[%swap3A_160] {strides = array<i32>} : memref<640xf32, #tpu.memory_space<vmem>>, vector<16xf32>,
    %swap3A_162 = vector.shape_cast %swap3A_161 : vector<16xf32> to vector<16xf32>
    %swap3A_163 = vector.shape_cast %broadcast_in_dim3A_159 : vector<16xf32> to vector<16xf32>
    tpu.vector_store %arg7[%swap3A_160], %swap3A_163 {strides = array<i32>} : memref<640xf32, #tpu.memory_space<vmem>>, vector<16xf32>,
    %broadcast_in_dim3A_164 = arith.constant 0.000000e+00 : f32
    %broadcast_in_dim3A_165 = vector.broadcast %broadcast_in_dim3A_164 : f32 to vector<16xf32>
    %swap3A_166 = arith.constant 416 : index
    %swap3A_167 = tpu.vector_load %arg7[%swap3A_166] {strides = array<i32>} : memref<640xf32, #tpu.memory_space<vmem>>, vector<16xf32>,
    %swap3A_168 = vector.shape_cast %swap3A_167 : vector<16xf32> to vector<16xf32>
    %swap3A_169 = vector.shape_cast %broadcast_in_dim3A_165 : vector<16xf32> to vector<16xf32>
    tpu.vector_store %arg7[%swap3A_166], %swap3A_169 {strides = array<i32>} : memref<640xf32, #tpu.memory_space<vmem>>, vector<16xf32>,
    %broadcast_in_dim3A_170 = arith.constant 0.000000e+00 : f32
    %broadcast_in_dim3A_171 = vector.broadcast %broadcast_in_dim3A_170 : f32 to vector<16xf32>
    %swap3A_172 = arith.constant 432 : index
    %swap3A_173 = tpu.vector_load %arg7[%swap3A_172] {strides = array<i32>} : memref<640xf32, #tpu.memory_space<vmem>>, vector<16xf32>,
    %swap3A_174 = vector.shape_cast %swap3A_173 : vector<16xf32> to vector<16xf32>
    %swap3A_175 = vector.shape_cast %broadcast_in_dim3A_171 : vector<16xf32> to vector<16xf32>
    tpu.vector_store %arg7[%swap3A_172], %swap3A_175 {strides = array<i32>} : memref<640xf32, #tpu.memory_space<vmem>>, vector<16xf32>,
    %broadcast_in_dim3A_176 = arith.constant 0.000000e+00 : f32
    %broadcast_in_dim3A_177 = vector.broadcast %broadcast_in_dim3A_176 : f32 to vector<16xf32>
    %swap3A_178 = arith.constant 448 : index
    %swap3A_179 = tpu.vector_load %arg7[%swap3A_178] {strides = array<i32>} : memref<640xf32, #tpu.memory_space<vmem>>, vector<16xf32>,
    %swap3A_180 = vector.shape_cast %swap3A_179 : vector<16xf32> to vector<16xf32>
    %swap3A_181 = vector.shape_cast %broadcast_in_dim3A_177 : vector<16xf32> to vector<16xf32>
    tpu.vector_store %arg7[%swap3A_178], %swap3A_181 {strides = array<i32>} : memref<640xf32, #tpu.memory_space<vmem>>, vector<16xf32>,
    %broadcast_in_dim3A_182 = arith.constant 0.000000e+00 : f32
    %broadcast_in_dim3A_183 = vector.broadcast %broadcast_in_dim3A_182 : f32 to vector<16xf32>
    %swap3A_184 = arith.constant 464 : index
    %swap3A_185 = tpu.vector_load %arg7[%swap3A_184] {strides = array<i32>} : memref<640xf32, #tpu.memory_space<vmem>>, vector<16xf32>,
    %swap3A_186 = vector.shape_cast %swap3A_185 : vector<16xf32> to vector<16xf32>
    %swap3A_187 = vector.shape_cast %broadcast_in_dim3A_183 : vector<16xf32> to vector<16xf32>
    tpu.vector_store %arg7[%swap3A_184], %swap3A_187 {strides = array<i32>} : memref<640xf32, #tpu.memory_space<vmem>>, vector<16xf32>,
    %broadcast_in_dim3A_188 = arith.constant 0.000000e+00 : f32
    %broadcast_in_dim3A_189 = vector.broadcast %broadcast_in_dim3A_188 : f32 to vector<16xf32>
    %swap3A_190 = arith.constant 480 : index
    %swap3A_191 = tpu.vector_load %arg7[%swap3A_190] {strides = array<i32>} : memref<640xf32, #tpu.memory_space<vmem>>, vector<16xf32>,
    %swap3A_192 = vector.shape_cast %swap3A_191 : vector<16xf32> to vector<16xf32>
    %swap3A_193 = vector.shape_cast %broadcast_in_dim3A_189 : vector<16xf32> to vector<16xf32>
    tpu.vector_store %arg7[%swap3A_190], %swap3A_193 {strides = array<i32>} : memref<640xf32, #tpu.memory_space<vmem>>, vector<16xf32>,
    %broadcast_in_dim3A_194 = arith.constant 0.000000e+00 : f32
    %broadcast_in_dim3A_195 = vector.broadcast %broadcast_in_dim3A_194 : f32 to vector<16xf32>
    %swap3A_196 = arith.constant 496 : index
    %swap3A_197 = tpu.vector_load %arg7[%swap3A_196] {strides = array<i32>} : memref<640xf32, #tpu.memory_space<vmem>>, vector<16xf32>,
    %swap3A_198 = vector.shape_cast %swap3A_197 : vector<16xf32> to vector<16xf32>
    %swap3A_199 = vector.shape_cast %broadcast_in_dim3A_195 : vector<16xf32> to vector<16xf32>
    tpu.vector_store %arg7[%swap3A_196], %swap3A_199 {strides = array<i32>} : memref<640xf32, #tpu.memory_space<vmem>>, vector<16xf32>,
    %broadcast_in_dim3A_200 = arith.constant 0.000000e+00 : f32
    %broadcast_in_dim3A_201 = vector.broadcast %broadcast_in_dim3A_200 : f32 to vector<16xf32>
    %swap3A_202 = arith.constant 512 : index
    %swap3A_203 = tpu.vector_load %arg7[%swap3A_202] {strides = array<i32>} : memref<640xf32, #tpu.memory_space<vmem>>, vector<16xf32>,
    %swap3A_204 = vector.shape_cast %swap3A_203 : vector<16xf32> to vector<16xf32>
    %swap3A_205 = vector.shape_cast %broadcast_in_dim3A_201 : vector<16xf32> to vector<16xf32>
    tpu.vector_store %arg7[%swap3A_202], %swap3A_205 {strides = array<i32>} : memref<640xf32, #tpu.memory_space<vmem>>, vector<16xf32>,
    %broadcast_in_dim3A_206 = arith.constant 0.000000e+00 : f32
    %broadcast_in_dim3A_207 = vector.broadcast %broadcast_in_dim3A_206 : f32 to vector<16xf32>
    %swap3A_208 = arith.constant 528 : index
    %swap3A_209 = tpu.vector_load %arg7[%swap3A_208] {strides = array<i32>} : memref<640xf32, #tpu.memory_space<vmem>>, vector<16xf32>,
    %swap3A_210 = vector.shape_cast %swap3A_209 : vector<16xf32> to vector<16xf32>
    %swap3A_211 = vector.shape_cast %broadcast_in_dim3A_207 : vector<16xf32> to vector<16xf32>
    tpu.vector_store %arg7[%swap3A_208], %swap3A_211 {strides = array<i32>} : memref<640xf32, #tpu.memory_space<vmem>>, vector<16xf32>,
    %broadcast_in_dim3A_212 = arith.constant 0.000000e+00 : f32
    %broadcast_in_dim3A_213 = vector.broadcast %broadcast_in_dim3A_212 : f32 to vector<16xf32>
    %swap3A_214 = arith.constant 544 : index
    %swap3A_215 = tpu.vector_load %arg7[%swap3A_214] {strides = array<i32>} : memref<640xf32, #tpu.memory_space<vmem>>, vector<16xf32>,
    %swap3A_216 = vector.shape_cast %swap3A_215 : vector<16xf32> to vector<16xf32>
    %swap3A_217 = vector.shape_cast %broadcast_in_dim3A_213 : vector<16xf32> to vector<16xf32>
    tpu.vector_store %arg7[%swap3A_214], %swap3A_217 {strides = array<i32>} : memref<640xf32, #tpu.memory_space<vmem>>, vector<16xf32>,
    %broadcast_in_dim3A_218 = arith.constant 0.000000e+00 : f32
    %broadcast_in_dim3A_219 = vector.broadcast %broadcast_in_dim3A_218 : f32 to vector<16xf32>
    %swap3A_220 = arith.constant 560 : index
    %swap3A_221 = tpu.vector_load %arg7[%swap3A_220] {strides = array<i32>} : memref<640xf32, #tpu.memory_space<vmem>>, vector<16xf32>,
    %swap3A_222 = vector.shape_cast %swap3A_221 : vector<16xf32> to vector<16xf32>
    %swap3A_223 = vector.shape_cast %broadcast_in_dim3A_219 : vector<16xf32> to vector<16xf32>
    tpu.vector_store %arg7[%swap3A_220], %swap3A_223 {strides = array<i32>} : memref<640xf32, #tpu.memory_space<vmem>>, vector<16xf32>,
    %broadcast_in_dim3A_224 = arith.constant 0.000000e+00 : f32
    %broadcast_in_dim3A_225 = vector.broadcast %broadcast_in_dim3A_224 : f32 to vector<16xf32>
    %swap3A_226 = arith.constant 576 : index
    %swap3A_227 = tpu.vector_load %arg7[%swap3A_226] {strides = array<i32>} : memref<640xf32, #tpu.memory_space<vmem>>, vector<16xf32>,
    %swap3A_228 = vector.shape_cast %swap3A_227 : vector<16xf32> to vector<16xf32>
    %swap3A_229 = vector.shape_cast %broadcast_in_dim3A_225 : vector<16xf32> to vector<16xf32>
    tpu.vector_store %arg7[%swap3A_226], %swap3A_229 {strides = array<i32>} : memref<640xf32, #tpu.memory_space<vmem>>, vector<16xf32>,
    %broadcast_in_dim3A_230 = arith.constant 0.000000e+00 : f32
    %broadcast_in_dim3A_231 = vector.broadcast %broadcast_in_dim3A_230 : f32 to vector<16xf32>
    %swap3A_232 = arith.constant 592 : index
    %swap3A_233 = tpu.vector_load %arg7[%swap3A_232] {strides = array<i32>} : memref<640xf32, #tpu.memory_space<vmem>>, vector<16xf32>,
    %swap3A_234 = vector.shape_cast %swap3A_233 : vector<16xf32> to vector<16xf32>
    %swap3A_235 = vector.shape_cast %broadcast_in_dim3A_231 : vector<16xf32> to vector<16xf32>
    tpu.vector_store %arg7[%swap3A_232], %swap3A_235 {strides = array<i32>} : memref<640xf32, #tpu.memory_space<vmem>>, vector<16xf32>,
    %broadcast_in_dim3A_236 = arith.constant 0.000000e+00 : f32
    %broadcast_in_dim3A_237 = vector.broadcast %broadcast_in_dim3A_236 : f32 to vector<16xf32>
    %swap3A_238 = arith.constant 608 : index
    %swap3A_239 = tpu.vector_load %arg7[%swap3A_238] {strides = array<i32>} : memref<640xf32, #tpu.memory_space<vmem>>, vector<16xf32>,
    %swap3A_240 = vector.shape_cast %swap3A_239 : vector<16xf32> to vector<16xf32>
    %swap3A_241 = vector.shape_cast %broadcast_in_dim3A_237 : vector<16xf32> to vector<16xf32>
    tpu.vector_store %arg7[%swap3A_238], %swap3A_241 {strides = array<i32>} : memref<640xf32, #tpu.memory_space<vmem>>, vector<16xf32>,
    %broadcast_in_dim3A_242 = arith.constant 0.000000e+00 : f32
    %broadcast_in_dim3A_243 = vector.broadcast %broadcast_in_dim3A_242 : f32 to vector<16xf32>
    %swap3A_244 = arith.constant 624 : index
    %swap3A_245 = tpu.vector_load %arg7[%swap3A_244] {strides = array<i32>} : memref<640xf32, #tpu.memory_space<vmem>>, vector<16xf32>,
    %swap3A_246 = vector.shape_cast %swap3A_245 : vector<16xf32> to vector<16xf32>
    %swap3A_247 = vector.shape_cast %broadcast_in_dim3A_243 : vector<16xf32> to vector<16xf32>
    tpu.vector_store %arg7[%swap3A_244], %swap3A_247 {strides = array<i32>} : memref<640xf32, #tpu.memory_space<vmem>>, vector<16xf32>,
    %mul3A_248 = arith.constant 640 : i32
    %mul3A_249 = arith.muli %arg1, %mul3A_248 : i32
    "tpu.region"() ({
      %run_scoped3A = tpu.sem_alloc : memref<!tpu.dma_semaphore, #tpu.memory_space<semaphore_mem>>
      %dma_start3A_294 = tpu.memref_slice %arg9[%mul3A_249] : memref<10240xf32, #tpu.memory_space<vmem_shared>> -> memref<640xf32, #tpu.memory_space<vmem_shared>>
      %dma_start3A_295 = tpu.memref_slice %arg9[%mul3A_249] : memref<10240xf32, #tpu.memory_space<vmem_shared>> -> memref<640xf32, #tpu.memory_space<vmem_shared>>
      tpu.enqueue_dma source(%arg7 : memref<640xf32, #tpu.memory_space<vmem>>) target(%dma_start3A_295 : memref<640xf32, #tpu.memory_space<vmem_shared>>) target_semaphore(%run_scoped3A : memref<!tpu.dma_semaphore, #tpu.memory_space<semaphore_mem>>)
      %dma_wait3A_296 = tpu.memref_slice %arg9[%mul3A_249] : memref<10240xf32, #tpu.memory_space<vmem_shared>> -> memref<640xf32, #tpu.memory_space<vmem_shared>>
      %dma_wait3A_297 = tpu.memref_slice %arg9[%mul3A_249] : memref<10240xf32, #tpu.memory_space<vmem_shared>> -> memref<640xf32, #tpu.memory_space<vmem_shared>>
      tpu.wait_dma2 semaphore(%run_scoped3A : memref<!tpu.dma_semaphore, #tpu.memory_space<semaphore_mem>>) src(%arg7 : memref<640xf32, #tpu.memory_space<vmem>>) dst(%dma_wait3A_297 : memref<640xf32, #tpu.memory_space<vmem_shared>>)
      tpu.yield
    }) : () -> ()
    %barrier3A = arith.constant 0 : index
    tpu.barrier barrier_id(%barrier3A)
    %dma_wait3A = arith.constant 0 : i32
    %dma_wait3A_250 = tpu.memref_slice %arg2[%mul3A_0, %dma_wait3A] : memref<2560x128xi32, #tpu.memory_space<hbm>> -> memref<160x128xi32, #tpu.memory_space<hbm>>
    %dma_wait3A_251 = arith.constant 0 : i32
    %dma_wait3A_252 = tpu.memref_slice %arg2[%mul3A_0, %dma_wait3A_251] : memref<2560x128xi32, #tpu.memory_space<hbm>> -> memref<160x128xi32, #tpu.memory_space<hbm>>
    tpu.wait_dma2 semaphore(%arg10 : memref<!tpu.dma_semaphore, #tpu.memory_space<semaphore_mem>>) src(%dma_wait3A_252 : memref<160x128xi32, #tpu.memory_space<hbm>>) dst(%arg5 : memref<160x128xi32, #tpu.memory_space<vmem>>)
    %dma_wait3A_253 = arith.constant 0 : i32
    %dma_wait3A_254 = tpu.memref_slice %arg3[%mul3A_5, %dma_wait3A_253] : memref<2560x128xf32, #tpu.memory_space<hbm>> -> memref<160x128xf32, #tpu.memory_space<hbm>>
    %dma_wait3A_255 = arith.constant 0 : i32
    %dma_wait3A_256 = tpu.memref_slice %arg3[%mul3A_5, %dma_wait3A_255] : memref<2560x128xf32, #tpu.memory_space<hbm>> -> memref<160x128xf32, #tpu.memory_space<hbm>>
    tpu.wait_dma2 semaphore(%arg10 : memref<!tpu.dma_semaphore, #tpu.memory_space<semaphore_mem>>) src(%dma_wait3A_256 : memref<160x128xf32, #tpu.memory_space<hbm>>) dst(%arg6 : memref<160x128xf32, #tpu.memory_space<vmem>>)
    %mul3A_257 = arith.constant 160 : i32
    %mul3A_258 = arith.muli %arg1, %mul3A_257 : i32
    %sub3A = arith.constant 2500 : i32
    %sub3A_259 = arith.subi %sub3A, %mul3A_258 : i32
    %min3A = arith.constant 160 : i32
    %min3A_260 = arith.minsi %min3A, %sub3A_259 : i32
    %jit3A = arith.constant 20 : i32
    %div3A = arith.divsi %min3A_260, %jit3A : i32
    %sign3A = arith.constant 0 : i32
    %sign3A_261 = arith.cmpi sgt, %min3A_260, %sign3A : i32
    %sign3A_262 = arith.extui %sign3A_261 : i1 to i32
    %sign3A_263 = arith.constant 0 : i32
    %sign3A_264 = arith.cmpi slt, %min3A_260, %sign3A_263 : i32
    %sign3A_265 = arith.extui %sign3A_264 : i1 to i32
    %sign3A_266 = arith.subi %sign3A_262, %sign3A_265 : i32
    %sign3A_267 = arith.constant 0 : i32
    %sign3A_268 = arith.cmpi sgt, %jit3A, %sign3A_267 : i32
    %sign3A_269 = arith.extui %sign3A_268 : i1 to i32
    %sign3A_270 = arith.constant 0 : i32
    %sign3A_271 = arith.cmpi slt, %jit3A, %sign3A_270 : i32
    %sign3A_272 = arith.extui %sign3A_271 : i1 to i32
    %sign3A_273 = arith.subi %sign3A_269, %sign3A_272 : i32
    %ne3A = arith.cmpi ne, %sign3A_266, %sign3A_273 : i32
    %rem3A = arith.remsi %min3A_260, %jit3A : i32
    %ne3A_274 = arith.constant 0 : i32
    %ne3A_275 = arith.cmpi ne, %rem3A, %ne3A_274 : i32
    %and3A = arith.andi %ne3A, %ne3A_275 : i1
    %sub3A_276 = arith.constant 1 : i32
    %sub3A_277 = arith.subi %div3A, %sub3A_276 : i32
    %select_n3A = arith.select %and3A, %sub3A_277, %div3A : i32
    %while3A = arith.constant 0 : i32
    %while3A_278 = arith.constant 0 : i32
    %while3A_279 = arith.subi %select_n3A, %while3A_278 : i32
    %while3A_280 = arith.addi %while3A_278, %while3A_279 : i32
    %while3A_281 = arith.constant 1 : i32
    %while3A_282 = arith.divsi %while3A_279, %while3A_281 : i32
    %while3A_283 = arith.muli %while3A_282, %while3A_281 : i32
    %while3A_284 = arith.addi %while3A_278, %while3A_283 : i32
    %while3A_285 = arith.constant 1 : i32
    scf.for %while3A_294 = %while3A_278 to %while3A_284 step %while3A_285  : i32 {
      %mul3A_295 = arith.constant 20 : i32
      %mul3A_296 = arith.muli %while3A_294, %mul3A_295 : i32
      %add3A = arith.constant 0 : i32
      %add3A_297 = arith.addi %mul3A_296, %add3A : i32
      %mul3A_298 = arith.constant 20 : i32
      %mul3A_299 = arith.muli %while3A_294, %mul3A_298 : i32
      %add3A_300 = arith.constant 0 : i32
      %add3A_301 = arith.addi %mul3A_299, %add3A_300 : i32
      %dma_start3A_302 = arith.constant 0 : i32
      %dma_start3A_303 = tpu.memref_slice %arg6[%add3A_297, %dma_start3A_302] : memref<160x128xf32, #tpu.memory_space<vmem>> -> memref<1x128xf32, #tpu.memory_space<vmem>>
      %dma_start3A_304 = tpu.memref_squeeze %dma_start3A_303 : memref<1x128xf32, #tpu.memory_space<vmem>> -> memref<128xf32, #tpu.memory_space<vmem>>
      %dma_start3A_305 = arith.constant 0 : i32
      %dma_start3A_306 = tpu.memref_slice %arg5[%add3A_301, %dma_start3A_305] : memref<160x128xi32, #tpu.memory_space<vmem>> -> memref<1x128xi32, #tpu.memory_space<vmem>>
      %dma_start3A_307 = tpu.memref_squeeze %dma_start3A_306 : memref<1x128xi32, #tpu.memory_space<vmem>> -> memref<128xi32, #tpu.memory_space<vmem>>
      %dma_start3A_308 = arith.constant 0 : i32
      %dma_start3A_309 = tpu.memref_slice %arg9[%dma_start3A_308] : memref<10240xf32, #tpu.memory_space<vmem_shared>> -> memref<10240xf32, #tpu.memory_space<vmem_shared>>
      tpu.enqueue_indirect_dma source(%dma_start3A_304 : memref<128xf32, #tpu.memory_space<vmem>>) target(%dma_start3A_309 : memref<10240xf32, #tpu.memory_space<vmem_shared>>) offsets(%dma_start3A_307 : memref<128xi32, #tpu.memory_space<vmem>>) semaphore(%arg11 : memref<!tpu.dma_semaphore, #tpu.memory_space<semaphore_mem>>) {add = true}
      %mul3A_310 = arith.constant 20 : i32
      %mul3A_311 = arith.muli %while3A_294, %mul3A_310 : i32
      %add3A_312 = arith.constant 1 : i32
      %add3A_313 = arith.addi %mul3A_311, %add3A_312 : i32
      %mul3A_314 = arith.constant 20 : i32
      %mul3A_315 = arith.muli %while3A_294, %mul3A_314 : i32
      %add3A_316 = arith.constant 1 : i32
      %add3A_317 = arith.addi %mul3A_315, %add3A_316 : i32
      %dma_start3A_318 = arith.constant 0 : i32
      %dma_start3A_319 = tpu.memref_slice %arg6[%add3A_313, %dma_start3A_318] : memref<160x128xf32, #tpu.memory_space<vmem>> -> memref<1x128xf32, #tpu.memory_space<vmem>>
      %dma_start3A_320 = tpu.memref_squeeze %dma_start3A_319 : memref<1x128xf32, #tpu.memory_space<vmem>> -> memref<128xf32, #tpu.memory_space<vmem>>
      %dma_start3A_321 = arith.constant 0 : i32
      %dma_start3A_322 = tpu.memref_slice %arg5[%add3A_317, %dma_start3A_321] : memref<160x128xi32, #tpu.memory_space<vmem>> -> memref<1x128xi32, #tpu.memory_space<vmem>>
      %dma_start3A_323 = tpu.memref_squeeze %dma_start3A_322 : memref<1x128xi32, #tpu.memory_space<vmem>> -> memref<128xi32, #tpu.memory_space<vmem>>
      %dma_start3A_324 = arith.constant 0 : i32
      %dma_start3A_325 = tpu.memref_slice %arg9[%dma_start3A_324] : memref<10240xf32, #tpu.memory_space<vmem_shared>> -> memref<10240xf32, #tpu.memory_space<vmem_shared>>
      tpu.enqueue_indirect_dma source(%dma_start3A_320 : memref<128xf32, #tpu.memory_space<vmem>>) target(%dma_start3A_325 : memref<10240xf32, #tpu.memory_space<vmem_shared>>) offsets(%dma_start3A_323 : memref<128xi32, #tpu.memory_space<vmem>>) semaphore(%arg11 : memref<!tpu.dma_semaphore, #tpu.memory_space<semaphore_mem>>) {add = true}
      %mul3A_326 = arith.constant 20 : i32
      %mul3A_327 = arith.muli %while3A_294, %mul3A_326 : i32
      %add3A_328 = arith.constant 2 : i32
      %add3A_329 = arith.addi %mul3A_327, %add3A_328 : i32
      %mul3A_330 = arith.constant 20 : i32
      %mul3A_331 = arith.muli %while3A_294, %mul3A_330 : i32
      %add3A_332 = arith.constant 2 : i32
      %add3A_333 = arith.addi %mul3A_331, %add3A_332 : i32
      %dma_start3A_334 = arith.constant 0 : i32
      %dma_start3A_335 = tpu.memref_slice %arg6[%add3A_329, %dma_start3A_334] : memref<160x128xf32, #tpu.memory_space<vmem>> -> memref<1x128xf32, #tpu.memory_space<vmem>>
      %dma_start3A_336 = tpu.memref_squeeze %dma_start3A_335 : memref<1x128xf32, #tpu.memory_space<vmem>> -> memref<128xf32, #tpu.memory_space<vmem>>
      %dma_start3A_337 = arith.constant 0 : i32
      %dma_start3A_338 = tpu.memref_slice %arg5[%add3A_333, %dma_start3A_337] : memref<160x128xi32, #tpu.memory_space<vmem>> -> memref<1x128xi32, #tpu.memory_space<vmem>>
      %dma_start3A_339 = tpu.memref_squeeze %dma_start3A_338 : memref<1x128xi32, #tpu.memory_space<vmem>> -> memref<128xi32, #tpu.memory_space<vmem>>
      %dma_start3A_340 = arith.constant 0 : i32
      %dma_start3A_341 = tpu.memref_slice %arg9[%dma_start3A_340] : memref<10240xf32, #tpu.memory_space<vmem_shared>> -> memref<10240xf32, #tpu.memory_space<vmem_shared>>
      tpu.enqueue_indirect_dma source(%dma_start3A_336 : memref<128xf32, #tpu.memory_space<vmem>>) target(%dma_start3A_341 : memref<10240xf32, #tpu.memory_space<vmem_shared>>) offsets(%dma_start3A_339 : memref<128xi32, #tpu.memory_space<vmem>>) semaphore(%arg11 : memref<!tpu.dma_semaphore, #tpu.memory_space<semaphore_mem>>) {add = true}
      %mul3A_342 = arith.constant 20 : i32
      %mul3A_343 = arith.muli %while3A_294, %mul3A_342 : i32
      %add3A_344 = arith.constant 3 : i32
      %add3A_345 = arith.addi %mul3A_343, %add3A_344 : i32
      %mul3A_346 = arith.constant 20 : i32
      %mul3A_347 = arith.muli %while3A_294, %mul3A_346 : i32
      %add3A_348 = arith.constant 3 : i32
      %add3A_349 = arith.addi %mul3A_347, %add3A_348 : i32
      %dma_start3A_350 = arith.constant 0 : i32
      %dma_start3A_351 = tpu.memref_slice %arg6[%add3A_345, %dma_start3A_350] : memref<160x128xf32, #tpu.memory_space<vmem>> -> memref<1x128xf32, #tpu.memory_space<vmem>>
      %dma_start3A_352 = tpu.memref_squeeze %dma_start3A_351 : memref<1x128xf32, #tpu.memory_space<vmem>> -> memref<128xf32, #tpu.memory_space<vmem>>
      %dma_start3A_353 = arith.constant 0 : i32
      %dma_start3A_354 = tpu.memref_slice %arg5[%add3A_349, %dma_start3A_353] : memref<160x128xi32, #tpu.memory_space<vmem>> -> memref<1x128xi32, #tpu.memory_space<vmem>>
      %dma_start3A_355 = tpu.memref_squeeze %dma_start3A_354 : memref<1x128xi32, #tpu.memory_space<vmem>> -> memref<128xi32, #tpu.memory_space<vmem>>
      %dma_start3A_356 = arith.constant 0 : i32
      %dma_start3A_357 = tpu.memref_slice %arg9[%dma_start3A_356] : memref<10240xf32, #tpu.memory_space<vmem_shared>> -> memref<10240xf32, #tpu.memory_space<vmem_shared>>
      tpu.enqueue_indirect_dma source(%dma_start3A_352 : memref<128xf32, #tpu.memory_space<vmem>>) target(%dma_start3A_357 : memref<10240xf32, #tpu.memory_space<vmem_shared>>) offsets(%dma_start3A_355 : memref<128xi32, #tpu.memory_space<vmem>>) semaphore(%arg11 : memref<!tpu.dma_semaphore, #tpu.memory_space<semaphore_mem>>) {add = true}
      %mul3A_358 = arith.constant 20 : i32
      %mul3A_359 = arith.muli %while3A_294, %mul3A_358 : i32
      %add3A_360 = arith.constant 4 : i32
      %add3A_361 = arith.addi %mul3A_359, %add3A_360 : i32
      %mul3A_362 = arith.constant 20 : i32
      %mul3A_363 = arith.muli %while3A_294, %mul3A_362 : i32
      %add3A_364 = arith.constant 4 : i32
      %add3A_365 = arith.addi %mul3A_363, %add3A_364 : i32
      %dma_start3A_366 = arith.constant 0 : i32
      %dma_start3A_367 = tpu.memref_slice %arg6[%add3A_361, %dma_start3A_366] : memref<160x128xf32, #tpu.memory_space<vmem>> -> memref<1x128xf32, #tpu.memory_space<vmem>>
      %dma_start3A_368 = tpu.memref_squeeze %dma_start3A_367 : memref<1x128xf32, #tpu.memory_space<vmem>> -> memref<128xf32, #tpu.memory_space<vmem>>
      %dma_start3A_369 = arith.constant 0 : i32
      %dma_start3A_370 = tpu.memref_slice %arg5[%add3A_365, %dma_start3A_369] : memref<160x128xi32, #tpu.memory_space<vmem>> -> memref<1x128xi32, #tpu.memory_space<vmem>>
      %dma_start3A_371 = tpu.memref_squeeze %dma_start3A_370 : memref<1x128xi32, #tpu.memory_space<vmem>> -> memref<128xi32, #tpu.memory_space<vmem>>
      %dma_start3A_372 = arith.constant 0 : i32
      %dma_start3A_373 = tpu.memref_slice %arg9[%dma_start3A_372] : memref<10240xf32, #tpu.memory_space<vmem_shared>> -> memref<10240xf32, #tpu.memory_space<vmem_shared>>
      tpu.enqueue_indirect_dma source(%dma_start3A_368 : memref<128xf32, #tpu.memory_space<vmem>>) target(%dma_start3A_373 : memref<10240xf32, #tpu.memory_space<vmem_shared>>) offsets(%dma_start3A_371 : memref<128xi32, #tpu.memory_space<vmem>>) semaphore(%arg11 : memref<!tpu.dma_semaphore, #tpu.memory_space<semaphore_mem>>) {add = true}
      %mul3A_374 = arith.constant 20 : i32
      %mul3A_375 = arith.muli %while3A_294, %mul3A_374 : i32
      %add3A_376 = arith.constant 5 : i32
      %add3A_377 = arith.addi %mul3A_375, %add3A_376 : i32
      %mul3A_378 = arith.constant 20 : i32
      %mul3A_379 = arith.muli %while3A_294, %mul3A_378 : i32
      %add3A_380 = arith.constant 5 : i32
      %add3A_381 = arith.addi %mul3A_379, %add3A_380 : i32
      %dma_start3A_382 = arith.constant 0 : i32
      %dma_start3A_383 = tpu.memref_slice %arg6[%add3A_377, %dma_start3A_382] : memref<160x128xf32, #tpu.memory_space<vmem>> -> memref<1x128xf32, #tpu.memory_space<vmem>>
      %dma_start3A_384 = tpu.memref_squeeze %dma_start3A_383 : memref<1x128xf32, #tpu.memory_space<vmem>> -> memref<128xf32, #tpu.memory_space<vmem>>
      %dma_start3A_385 = arith.constant 0 : i32
      %dma_start3A_386 = tpu.memref_slice %arg5[%add3A_381, %dma_start3A_385] : memref<160x128xi32, #tpu.memory_space<vmem>> -> memref<1x128xi32, #tpu.memory_space<vmem>>
      %dma_start3A_387 = tpu.memref_squeeze %dma_start3A_386 : memref<1x128xi32, #tpu.memory_space<vmem>> -> memref<128xi32, #tpu.memory_space<vmem>>
      %dma_start3A_388 = arith.constant 0 : i32
      %dma_start3A_389 = tpu.memref_slice %arg9[%dma_start3A_388] : memref<10240xf32, #tpu.memory_space<vmem_shared>> -> memref<10240xf32, #tpu.memory_space<vmem_shared>>
      tpu.enqueue_indirect_dma source(%dma_start3A_384 : memref<128xf32, #tpu.memory_space<vmem>>) target(%dma_start3A_389 : memref<10240xf32, #tpu.memory_space<vmem_shared>>) offsets(%dma_start3A_387 : memref<128xi32, #tpu.memory_space<vmem>>) semaphore(%arg11 : memref<!tpu.dma_semaphore, #tpu.memory_space<semaphore_mem>>) {add = true}
      %mul3A_390 = arith.constant 20 : i32
      %mul3A_391 = arith.muli %while3A_294, %mul3A_390 : i32
      %add3A_392 = arith.constant 6 : i32
      %add3A_393 = arith.addi %mul3A_391, %add3A_392 : i32
      %mul3A_394 = arith.constant 20 : i32
      %mul3A_395 = arith.muli %while3A_294, %mul3A_394 : i32
      %add3A_396 = arith.constant 6 : i32
      %add3A_397 = arith.addi %mul3A_395, %add3A_396 : i32
      %dma_start3A_398 = arith.constant 0 : i32
      %dma_start3A_399 = tpu.memref_slice %arg6[%add3A_393, %dma_start3A_398] : memref<160x128xf32, #tpu.memory_space<vmem>> -> memref<1x128xf32, #tpu.memory_space<vmem>>
      %dma_start3A_400 = tpu.memref_squeeze %dma_start3A_399 : memref<1x128xf32, #tpu.memory_space<vmem>> -> memref<128xf32, #tpu.memory_space<vmem>>
      %dma_start3A_401 = arith.constant 0 : i32
      %dma_start3A_402 = tpu.memref_slice %arg5[%add3A_397, %dma_start3A_401] : memref<160x128xi32, #tpu.memory_space<vmem>> -> memref<1x128xi32, #tpu.memory_space<vmem>>
      %dma_start3A_403 = tpu.memref_squeeze %dma_start3A_402 : memref<1x128xi32, #tpu.memory_space<vmem>> -> memref<128xi32, #tpu.memory_space<vmem>>
      %dma_start3A_404 = arith.constant 0 : i32
      %dma_start3A_405 = tpu.memref_slice %arg9[%dma_start3A_404] : memref<10240xf32, #tpu.memory_space<vmem_shared>> -> memref<10240xf32, #tpu.memory_space<vmem_shared>>
      tpu.enqueue_indirect_dma source(%dma_start3A_400 : memref<128xf32, #tpu.memory_space<vmem>>) target(%dma_start3A_405 : memref<10240xf32, #tpu.memory_space<vmem_shared>>) offsets(%dma_start3A_403 : memref<128xi32, #tpu.memory_space<vmem>>) semaphore(%arg11 : memref<!tpu.dma_semaphore, #tpu.memory_space<semaphore_mem>>) {add = true}
      %mul3A_406 = arith.constant 20 : i32
      %mul3A_407 = arith.muli %while3A_294, %mul3A_406 : i32
      %add3A_408 = arith.constant 7 : i32
      %add3A_409 = arith.addi %mul3A_407, %add3A_408 : i32
      %mul3A_410 = arith.constant 20 : i32
      %mul3A_411 = arith.muli %while3A_294, %mul3A_410 : i32
      %add3A_412 = arith.constant 7 : i32
      %add3A_413 = arith.addi %mul3A_411, %add3A_412 : i32
      %dma_start3A_414 = arith.constant 0 : i32
      %dma_start3A_415 = tpu.memref_slice %arg6[%add3A_409, %dma_start3A_414] : memref<160x128xf32, #tpu.memory_space<vmem>> -> memref<1x128xf32, #tpu.memory_space<vmem>>
      %dma_start3A_416 = tpu.memref_squeeze %dma_start3A_415 : memref<1x128xf32, #tpu.memory_space<vmem>> -> memref<128xf32, #tpu.memory_space<vmem>>
      %dma_start3A_417 = arith.constant 0 : i32
      %dma_start3A_418 = tpu.memref_slice %arg5[%add3A_413, %dma_start3A_417] : memref<160x128xi32, #tpu.memory_space<vmem>> -> memref<1x128xi32, #tpu.memory_space<vmem>>
      %dma_start3A_419 = tpu.memref_squeeze %dma_start3A_418 : memref<1x128xi32, #tpu.memory_space<vmem>> -> memref<128xi32, #tpu.memory_space<vmem>>
      %dma_start3A_420 = arith.constant 0 : i32
      %dma_start3A_421 = tpu.memref_slice %arg9[%dma_start3A_420] : memref<10240xf32, #tpu.memory_space<vmem_shared>> -> memref<10240xf32, #tpu.memory_space<vmem_shared>>
      tpu.enqueue_indirect_dma source(%dma_start3A_416 : memref<128xf32, #tpu.memory_space<vmem>>) target(%dma_start3A_421 : memref<10240xf32, #tpu.memory_space<vmem_shared>>) offsets(%dma_start3A_419 : memref<128xi32, #tpu.memory_space<vmem>>) semaphore(%arg11 : memref<!tpu.dma_semaphore, #tpu.memory_space<semaphore_mem>>) {add = true}
      %mul3A_422 = arith.constant 20 : i32
      %mul3A_423 = arith.muli %while3A_294, %mul3A_422 : i32
      %add3A_424 = arith.constant 8 : i32
      %add3A_425 = arith.addi %mul3A_423, %add3A_424 : i32
      %mul3A_426 = arith.constant 20 : i32
      %mul3A_427 = arith.muli %while3A_294, %mul3A_426 : i32
      %add3A_428 = arith.constant 8 : i32
      %add3A_429 = arith.addi %mul3A_427, %add3A_428 : i32
      %dma_start3A_430 = arith.constant 0 : i32
      %dma_start3A_431 = tpu.memref_slice %arg6[%add3A_425, %dma_start3A_430] : memref<160x128xf32, #tpu.memory_space<vmem>> -> memref<1x128xf32, #tpu.memory_space<vmem>>
      %dma_start3A_432 = tpu.memref_squeeze %dma_start3A_431 : memref<1x128xf32, #tpu.memory_space<vmem>> -> memref<128xf32, #tpu.memory_space<vmem>>
      %dma_start3A_433 = arith.constant 0 : i32
      %dma_start3A_434 = tpu.memref_slice %arg5[%add3A_429, %dma_start3A_433] : memref<160x128xi32, #tpu.memory_space<vmem>> -> memref<1x128xi32, #tpu.memory_space<vmem>>
      %dma_start3A_435 = tpu.memref_squeeze %dma_start3A_434 : memref<1x128xi32, #tpu.memory_space<vmem>> -> memref<128xi32, #tpu.memory_space<vmem>>
      %dma_start3A_436 = arith.constant 0 : i32
      %dma_start3A_437 = tpu.memref_slice %arg9[%dma_start3A_436] : memref<10240xf32, #tpu.memory_space<vmem_shared>> -> memref<10240xf32, #tpu.memory_space<vmem_shared>>
      tpu.enqueue_indirect_dma source(%dma_start3A_432 : memref<128xf32, #tpu.memory_space<vmem>>) target(%dma_start3A_437 : memref<10240xf32, #tpu.memory_space<vmem_shared>>) offsets(%dma_start3A_435 : memref<128xi32, #tpu.memory_space<vmem>>) semaphore(%arg11 : memref<!tpu.dma_semaphore, #tpu.memory_space<semaphore_mem>>) {add = true}
      %mul3A_438 = arith.constant 20 : i32
      %mul3A_439 = arith.muli %while3A_294, %mul3A_438 : i32
      %add3A_440 = arith.constant 9 : i32
      %add3A_441 = arith.addi %mul3A_439, %add3A_440 : i32
      %mul3A_442 = arith.constant 20 : i32
      %mul3A_443 = arith.muli %while3A_294, %mul3A_442 : i32
      %add3A_444 = arith.constant 9 : i32
      %add3A_445 = arith.addi %mul3A_443, %add3A_444 : i32
      %dma_start3A_446 = arith.constant 0 : i32
      %dma_start3A_447 = tpu.memref_slice %arg6[%add3A_441, %dma_start3A_446] : memref<160x128xf32, #tpu.memory_space<vmem>> -> memref<1x128xf32, #tpu.memory_space<vmem>>
      %dma_start3A_448 = tpu.memref_squeeze %dma_start3A_447 : memref<1x128xf32, #tpu.memory_space<vmem>> -> memref<128xf32, #tpu.memory_space<vmem>>
      %dma_start3A_449 = arith.constant 0 : i32
      %dma_start3A_450 = tpu.memref_slice %arg5[%add3A_445, %dma_start3A_449] : memref<160x128xi32, #tpu.memory_space<vmem>> -> memref<1x128xi32, #tpu.memory_space<vmem>>
      %dma_start3A_451 = tpu.memref_squeeze %dma_start3A_450 : memref<1x128xi32, #tpu.memory_space<vmem>> -> memref<128xi32, #tpu.memory_space<vmem>>
      %dma_start3A_452 = arith.constant 0 : i32
      %dma_start3A_453 = tpu.memref_slice %arg9[%dma_start3A_452] : memref<10240xf32, #tpu.memory_space<vmem_shared>> -> memref<10240xf32, #tpu.memory_space<vmem_shared>>
      tpu.enqueue_indirect_dma source(%dma_start3A_448 : memref<128xf32, #tpu.memory_space<vmem>>) target(%dma_start3A_453 : memref<10240xf32, #tpu.memory_space<vmem_shared>>) offsets(%dma_start3A_451 : memref<128xi32, #tpu.memory_space<vmem>>) semaphore(%arg11 : memref<!tpu.dma_semaphore, #tpu.memory_space<semaphore_mem>>) {add = true}
      %mul3A_454 = arith.constant 20 : i32
      %mul3A_455 = arith.muli %while3A_294, %mul3A_454 : i32
      %add3A_456 = arith.constant 10 : i32
      %add3A_457 = arith.addi %mul3A_455, %add3A_456 : i32
      %mul3A_458 = arith.constant 20 : i32
      %mul3A_459 = arith.muli %while3A_294, %mul3A_458 : i32
      %add3A_460 = arith.constant 10 : i32
      %add3A_461 = arith.addi %mul3A_459, %add3A_460 : i32
      %dma_start3A_462 = arith.constant 0 : i32
      %dma_start3A_463 = tpu.memref_slice %arg6[%add3A_457, %dma_start3A_462] : memref<160x128xf32, #tpu.memory_space<vmem>> -> memref<1x128xf32, #tpu.memory_space<vmem>>
      %dma_start3A_464 = tpu.memref_squeeze %dma_start3A_463 : memref<1x128xf32, #tpu.memory_space<vmem>> -> memref<128xf32, #tpu.memory_space<vmem>>
      %dma_start3A_465 = arith.constant 0 : i32
      %dma_start3A_466 = tpu.memref_slice %arg5[%add3A_461, %dma_start3A_465] : memref<160x128xi32, #tpu.memory_space<vmem>> -> memref<1x128xi32, #tpu.memory_space<vmem>>
      %dma_start3A_467 = tpu.memref_squeeze %dma_start3A_466 : memref<1x128xi32, #tpu.memory_space<vmem>> -> memref<128xi32, #tpu.memory_space<vmem>>
      %dma_start3A_468 = arith.constant 0 : i32
      %dma_start3A_469 = tpu.memref_slice %arg9[%dma_start3A_468] : memref<10240xf32, #tpu.memory_space<vmem_shared>> -> memref<10240xf32, #tpu.memory_space<vmem_shared>>
      tpu.enqueue_indirect_dma source(%dma_start3A_464 : memref<128xf32, #tpu.memory_space<vmem>>) target(%dma_start3A_469 : memref<10240xf32, #tpu.memory_space<vmem_shared>>) offsets(%dma_start3A_467 : memref<128xi32, #tpu.memory_space<vmem>>) semaphore(%arg11 : memref<!tpu.dma_semaphore, #tpu.memory_space<semaphore_mem>>) {add = true}
      %mul3A_470 = arith.constant 20 : i32
      %mul3A_471 = arith.muli %while3A_294, %mul3A_470 : i32
      %add3A_472 = arith.constant 11 : i32
      %add3A_473 = arith.addi %mul3A_471, %add3A_472 : i32
      %mul3A_474 = arith.constant 20 : i32
      %mul3A_475 = arith.muli %while3A_294, %mul3A_474 : i32
      %add3A_476 = arith.constant 11 : i32
      %add3A_477 = arith.addi %mul3A_475, %add3A_476 : i32
      %dma_start3A_478 = arith.constant 0 : i32
      %dma_start3A_479 = tpu.memref_slice %arg6[%add3A_473, %dma_start3A_478] : memref<160x128xf32, #tpu.memory_space<vmem>> -> memref<1x128xf32, #tpu.memory_space<vmem>>
      %dma_start3A_480 = tpu.memref_squeeze %dma_start3A_479 : memref<1x128xf32, #tpu.memory_space<vmem>> -> memref<128xf32, #tpu.memory_space<vmem>>
      %dma_start3A_481 = arith.constant 0 : i32
      %dma_start3A_482 = tpu.memref_slice %arg5[%add3A_477, %dma_start3A_481] : memref<160x128xi32, #tpu.memory_space<vmem>> -> memref<1x128xi32, #tpu.memory_space<vmem>>
      %dma_start3A_483 = tpu.memref_squeeze %dma_start3A_482 : memref<1x128xi32, #tpu.memory_space<vmem>> -> memref<128xi32, #tpu.memory_space<vmem>>
      %dma_start3A_484 = arith.constant 0 : i32
      %dma_start3A_485 = tpu.memref_slice %arg9[%dma_start3A_484] : memref<10240xf32, #tpu.memory_space<vmem_shared>> -> memref<10240xf32, #tpu.memory_space<vmem_shared>>
      tpu.enqueue_indirect_dma source(%dma_start3A_480 : memref<128xf32, #tpu.memory_space<vmem>>) target(%dma_start3A_485 : memref<10240xf32, #tpu.memory_space<vmem_shared>>) offsets(%dma_start3A_483 : memref<128xi32, #tpu.memory_space<vmem>>) semaphore(%arg11 : memref<!tpu.dma_semaphore, #tpu.memory_space<semaphore_mem>>) {add = true}
      %mul3A_486 = arith.constant 20 : i32
      %mul3A_487 = arith.muli %while3A_294, %mul3A_486 : i32
      %add3A_488 = arith.constant 12 : i32
      %add3A_489 = arith.addi %mul3A_487, %add3A_488 : i32
      %mul3A_490 = arith.constant 20 : i32
      %mul3A_491 = arith.muli %while3A_294, %mul3A_490 : i32
      %add3A_492 = arith.constant 12 : i32
      %add3A_493 = arith.addi %mul3A_491, %add3A_492 : i32
      %dma_start3A_494 = arith.constant 0 : i32
      %dma_start3A_495 = tpu.memref_slice %arg6[%add3A_489, %dma_start3A_494] : memref<160x128xf32, #tpu.memory_space<vmem>> -> memref<1x128xf32, #tpu.memory_space<vmem>>
      %dma_start3A_496 = tpu.memref_squeeze %dma_start3A_495 : memref<1x128xf32, #tpu.memory_space<vmem>> -> memref<128xf32, #tpu.memory_space<vmem>>
      %dma_start3A_497 = arith.constant 0 : i32
      %dma_start3A_498 = tpu.memref_slice %arg5[%add3A_493, %dma_start3A_497] : memref<160x128xi32, #tpu.memory_space<vmem>> -> memref<1x128xi32, #tpu.memory_space<vmem>>
      %dma_start3A_499 = tpu.memref_squeeze %dma_start3A_498 : memref<1x128xi32, #tpu.memory_space<vmem>> -> memref<128xi32, #tpu.memory_space<vmem>>
      %dma_start3A_500 = arith.constant 0 : i32
      %dma_start3A_501 = tpu.memref_slice %arg9[%dma_start3A_500] : memref<10240xf32, #tpu.memory_space<vmem_shared>> -> memref<10240xf32, #tpu.memory_space<vmem_shared>>
      tpu.enqueue_indirect_dma source(%dma_start3A_496 : memref<128xf32, #tpu.memory_space<vmem>>) target(%dma_start3A_501 : memref<10240xf32, #tpu.memory_space<vmem_shared>>) offsets(%dma_start3A_499 : memref<128xi32, #tpu.memory_space<vmem>>) semaphore(%arg11 : memref<!tpu.dma_semaphore, #tpu.memory_space<semaphore_mem>>) {add = true}
      %mul3A_502 = arith.constant 20 : i32
      %mul3A_503 = arith.muli %while3A_294, %mul3A_502 : i32
      %add3A_504 = arith.constant 13 : i32
      %add3A_505 = arith.addi %mul3A_503, %add3A_504 : i32
      %mul3A_506 = arith.constant 20 : i32
      %mul3A_507 = arith.muli %while3A_294, %mul3A_506 : i32
      %add3A_508 = arith.constant 13 : i32
      %add3A_509 = arith.addi %mul3A_507, %add3A_508 : i32
      %dma_start3A_510 = arith.constant 0 : i32
      %dma_start3A_511 = tpu.memref_slice %arg6[%add3A_505, %dma_start3A_510] : memref<160x128xf32, #tpu.memory_space<vmem>> -> memref<1x128xf32, #tpu.memory_space<vmem>>
      %dma_start3A_512 = tpu.memref_squeeze %dma_start3A_511 : memref<1x128xf32, #tpu.memory_space<vmem>> -> memref<128xf32, #tpu.memory_space<vmem>>
      %dma_start3A_513 = arith.constant 0 : i32
      %dma_start3A_514 = tpu.memref_slice %arg5[%add3A_509, %dma_start3A_513] : memref<160x128xi32, #tpu.memory_space<vmem>> -> memref<1x128xi32, #tpu.memory_space<vmem>>
      %dma_start3A_515 = tpu.memref_squeeze %dma_start3A_514 : memref<1x128xi32, #tpu.memory_space<vmem>> -> memref<128xi32, #tpu.memory_space<vmem>>
      %dma_start3A_516 = arith.constant 0 : i32
      %dma_start3A_517 = tpu.memref_slice %arg9[%dma_start3A_516] : memref<10240xf32, #tpu.memory_space<vmem_shared>> -> memref<10240xf32, #tpu.memory_space<vmem_shared>>
      tpu.enqueue_indirect_dma source(%dma_start3A_512 : memref<128xf32, #tpu.memory_space<vmem>>) target(%dma_start3A_517 : memref<10240xf32, #tpu.memory_space<vmem_shared>>) offsets(%dma_start3A_515 : memref<128xi32, #tpu.memory_space<vmem>>) semaphore(%arg11 : memref<!tpu.dma_semaphore, #tpu.memory_space<semaphore_mem>>) {add = true}
      %mul3A_518 = arith.constant 20 : i32
      %mul3A_519 = arith.muli %while3A_294, %mul3A_518 : i32
      %add3A_520 = arith.constant 14 : i32
      %add3A_521 = arith.addi %mul3A_519, %add3A_520 : i32
      %mul3A_522 = arith.constant 20 : i32
      %mul3A_523 = arith.muli %while3A_294, %mul3A_522 : i32
      %add3A_524 = arith.constant 14 : i32
      %add3A_525 = arith.addi %mul3A_523, %add3A_524 : i32
      %dma_start3A_526 = arith.constant 0 : i32
      %dma_start3A_527 = tpu.memref_slice %arg6[%add3A_521, %dma_start3A_526] : memref<160x128xf32, #tpu.memory_space<vmem>> -> memref<1x128xf32, #tpu.memory_space<vmem>>
      %dma_start3A_528 = tpu.memref_squeeze %dma_start3A_527 : memref<1x128xf32, #tpu.memory_space<vmem>> -> memref<128xf32, #tpu.memory_space<vmem>>
      %dma_start3A_529 = arith.constant 0 : i32
      %dma_start3A_530 = tpu.memref_slice %arg5[%add3A_525, %dma_start3A_529] : memref<160x128xi32, #tpu.memory_space<vmem>> -> memref<1x128xi32, #tpu.memory_space<vmem>>
      %dma_start3A_531 = tpu.memref_squeeze %dma_start3A_530 : memref<1x128xi32, #tpu.memory_space<vmem>> -> memref<128xi32, #tpu.memory_space<vmem>>
      %dma_start3A_532 = arith.constant 0 : i32
      %dma_start3A_533 = tpu.memref_slice %arg9[%dma_start3A_532] : memref<10240xf32, #tpu.memory_space<vmem_shared>> -> memref<10240xf32, #tpu.memory_space<vmem_shared>>
      tpu.enqueue_indirect_dma source(%dma_start3A_528 : memref<128xf32, #tpu.memory_space<vmem>>) target(%dma_start3A_533 : memref<10240xf32, #tpu.memory_space<vmem_shared>>) offsets(%dma_start3A_531 : memref<128xi32, #tpu.memory_space<vmem>>) semaphore(%arg11 : memref<!tpu.dma_semaphore, #tpu.memory_space<semaphore_mem>>) {add = true}
      %mul3A_534 = arith.constant 20 : i32
      %mul3A_535 = arith.muli %while3A_294, %mul3A_534 : i32
      %add3A_536 = arith.constant 15 : i32
      %add3A_537 = arith.addi %mul3A_535, %add3A_536 : i32
      %mul3A_538 = arith.constant 20 : i32
      %mul3A_539 = arith.muli %while3A_294, %mul3A_538 : i32
      %add3A_540 = arith.constant 15 : i32
      %add3A_541 = arith.addi %mul3A_539, %add3A_540 : i32
      %dma_start3A_542 = arith.constant 0 : i32
      %dma_start3A_543 = tpu.memref_slice %arg6[%add3A_537, %dma_start3A_542] : memref<160x128xf32, #tpu.memory_space<vmem>> -> memref<1x128xf32, #tpu.memory_space<vmem>>
      %dma_start3A_544 = tpu.memref_squeeze %dma_start3A_543 : memref<1x128xf32, #tpu.memory_space<vmem>> -> memref<128xf32, #tpu.memory_space<vmem>>
      %dma_start3A_545 = arith.constant 0 : i32
      %dma_start3A_546 = tpu.memref_slice %arg5[%add3A_541, %dma_start3A_545] : memref<160x128xi32, #tpu.memory_space<vmem>> -> memref<1x128xi32, #tpu.memory_space<vmem>>
      %dma_start3A_547 = tpu.memref_squeeze %dma_start3A_546 : memref<1x128xi32, #tpu.memory_space<vmem>> -> memref<128xi32, #tpu.memory_space<vmem>>
      %dma_start3A_548 = arith.constant 0 : i32
      %dma_start3A_549 = tpu.memref_slice %arg9[%dma_start3A_548] : memref<10240xf32, #tpu.memory_space<vmem_shared>> -> memref<10240xf32, #tpu.memory_space<vmem_shared>>
      tpu.enqueue_indirect_dma source(%dma_start3A_544 : memref<128xf32, #tpu.memory_space<vmem>>) target(%dma_start3A_549 : memref<10240xf32, #tpu.memory_space<vmem_shared>>) offsets(%dma_start3A_547 : memref<128xi32, #tpu.memory_space<vmem>>) semaphore(%arg11 : memref<!tpu.dma_semaphore, #tpu.memory_space<semaphore_mem>>) {add = true}
      %mul3A_550 = arith.constant 20 : i32
      %mul3A_551 = arith.muli %while3A_294, %mul3A_550 : i32
      %add3A_552 = arith.constant 16 : i32
      %add3A_553 = arith.addi %mul3A_551, %add3A_552 : i32
      %mul3A_554 = arith.constant 20 : i32
      %mul3A_555 = arith.muli %while3A_294, %mul3A_554 : i32
      %add3A_556 = arith.constant 16 : i32
      %add3A_557 = arith.addi %mul3A_555, %add3A_556 : i32
      %dma_start3A_558 = arith.constant 0 : i32
      %dma_start3A_559 = tpu.memref_slice %arg6[%add3A_553, %dma_start3A_558] : memref<160x128xf32, #tpu.memory_space<vmem>> -> memref<1x128xf32, #tpu.memory_space<vmem>>
      %dma_start3A_560 = tpu.memref_squeeze %dma_start3A_559 : memref<1x128xf32, #tpu.memory_space<vmem>> -> memref<128xf32, #tpu.memory_space<vmem>>
      %dma_start3A_561 = arith.constant 0 : i32
      %dma_start3A_562 = tpu.memref_slice %arg5[%add3A_557, %dma_start3A_561] : memref<160x128xi32, #tpu.memory_space<vmem>> -> memref<1x128xi32, #tpu.memory_space<vmem>>
      %dma_start3A_563 = tpu.memref_squeeze %dma_start3A_562 : memref<1x128xi32, #tpu.memory_space<vmem>> -> memref<128xi32, #tpu.memory_space<vmem>>
      %dma_start3A_564 = arith.constant 0 : i32
      %dma_start3A_565 = tpu.memref_slice %arg9[%dma_start3A_564] : memref<10240xf32, #tpu.memory_space<vmem_shared>> -> memref<10240xf32, #tpu.memory_space<vmem_shared>>
      tpu.enqueue_indirect_dma source(%dma_start3A_560 : memref<128xf32, #tpu.memory_space<vmem>>) target(%dma_start3A_565 : memref<10240xf32, #tpu.memory_space<vmem_shared>>) offsets(%dma_start3A_563 : memref<128xi32, #tpu.memory_space<vmem>>) semaphore(%arg11 : memref<!tpu.dma_semaphore, #tpu.memory_space<semaphore_mem>>) {add = true}
      %mul3A_566 = arith.constant 20 : i32
      %mul3A_567 = arith.muli %while3A_294, %mul3A_566 : i32
      %add3A_568 = arith.constant 17 : i32
      %add3A_569 = arith.addi %mul3A_567, %add3A_568 : i32
      %mul3A_570 = arith.constant 20 : i32
      %mul3A_571 = arith.muli %while3A_294, %mul3A_570 : i32
      %add3A_572 = arith.constant 17 : i32
      %add3A_573 = arith.addi %mul3A_571, %add3A_572 : i32
      %dma_start3A_574 = arith.constant 0 : i32
      %dma_start3A_575 = tpu.memref_slice %arg6[%add3A_569, %dma_start3A_574] : memref<160x128xf32, #tpu.memory_space<vmem>> -> memref<1x128xf32, #tpu.memory_space<vmem>>
      %dma_start3A_576 = tpu.memref_squeeze %dma_start3A_575 : memref<1x128xf32, #tpu.memory_space<vmem>> -> memref<128xf32, #tpu.memory_space<vmem>>
      %dma_start3A_577 = arith.constant 0 : i32
      %dma_start3A_578 = tpu.memref_slice %arg5[%add3A_573, %dma_start3A_577] : memref<160x128xi32, #tpu.memory_space<vmem>> -> memref<1x128xi32, #tpu.memory_space<vmem>>
      %dma_start3A_579 = tpu.memref_squeeze %dma_start3A_578 : memref<1x128xi32, #tpu.memory_space<vmem>> -> memref<128xi32, #tpu.memory_space<vmem>>
      %dma_start3A_580 = arith.constant 0 : i32
      %dma_start3A_581 = tpu.memref_slice %arg9[%dma_start3A_580] : memref<10240xf32, #tpu.memory_space<vmem_shared>> -> memref<10240xf32, #tpu.memory_space<vmem_shared>>
      tpu.enqueue_indirect_dma source(%dma_start3A_576 : memref<128xf32, #tpu.memory_space<vmem>>) target(%dma_start3A_581 : memref<10240xf32, #tpu.memory_space<vmem_shared>>) offsets(%dma_start3A_579 : memref<128xi32, #tpu.memory_space<vmem>>) semaphore(%arg11 : memref<!tpu.dma_semaphore, #tpu.memory_space<semaphore_mem>>) {add = true}
      %mul3A_582 = arith.constant 20 : i32
      %mul3A_583 = arith.muli %while3A_294, %mul3A_582 : i32
      %add3A_584 = arith.constant 18 : i32
      %add3A_585 = arith.addi %mul3A_583, %add3A_584 : i32
      %mul3A_586 = arith.constant 20 : i32
      %mul3A_587 = arith.muli %while3A_294, %mul3A_586 : i32
      %add3A_588 = arith.constant 18 : i32
      %add3A_589 = arith.addi %mul3A_587, %add3A_588 : i32
      %dma_start3A_590 = arith.constant 0 : i32
      %dma_start3A_591 = tpu.memref_slice %arg6[%add3A_585, %dma_start3A_590] : memref<160x128xf32, #tpu.memory_space<vmem>> -> memref<1x128xf32, #tpu.memory_space<vmem>>
      %dma_start3A_592 = tpu.memref_squeeze %dma_start3A_591 : memref<1x128xf32, #tpu.memory_space<vmem>> -> memref<128xf32, #tpu.memory_space<vmem>>
      %dma_start3A_593 = arith.constant 0 : i32
      %dma_start3A_594 = tpu.memref_slice %arg5[%add3A_589, %dma_start3A_593] : memref<160x128xi32, #tpu.memory_space<vmem>> -> memref<1x128xi32, #tpu.memory_space<vmem>>
      %dma_start3A_595 = tpu.memref_squeeze %dma_start3A_594 : memref<1x128xi32, #tpu.memory_space<vmem>> -> memref<128xi32, #tpu.memory_space<vmem>>
      %dma_start3A_596 = arith.constant 0 : i32
      %dma_start3A_597 = tpu.memref_slice %arg9[%dma_start3A_596] : memref<10240xf32, #tpu.memory_space<vmem_shared>> -> memref<10240xf32, #tpu.memory_space<vmem_shared>>
      tpu.enqueue_indirect_dma source(%dma_start3A_592 : memref<128xf32, #tpu.memory_space<vmem>>) target(%dma_start3A_597 : memref<10240xf32, #tpu.memory_space<vmem_shared>>) offsets(%dma_start3A_595 : memref<128xi32, #tpu.memory_space<vmem>>) semaphore(%arg11 : memref<!tpu.dma_semaphore, #tpu.memory_space<semaphore_mem>>) {add = true}
      %mul3A_598 = arith.constant 20 : i32
      %mul3A_599 = arith.muli %while3A_294, %mul3A_598 : i32
      %add3A_600 = arith.constant 19 : i32
      %add3A_601 = arith.addi %mul3A_599, %add3A_600 : i32
      %mul3A_602 = arith.constant 20 : i32
      %mul3A_603 = arith.muli %while3A_294, %mul3A_602 : i32
      %add3A_604 = arith.constant 19 : i32
      %add3A_605 = arith.addi %mul3A_603, %add3A_604 : i32
      %dma_start3A_606 = arith.constant 0 : i32
      %dma_start3A_607 = tpu.memref_slice %arg6[%add3A_601, %dma_start3A_606] : memref<160x128xf32, #tpu.memory_space<vmem>> -> memref<1x128xf32, #tpu.memory_space<vmem>>
      %dma_start3A_608 = tpu.memref_squeeze %dma_start3A_607 : memref<1x128xf32, #tpu.memory_space<vmem>> -> memref<128xf32, #tpu.memory_space<vmem>>
      %dma_start3A_609 = arith.constant 0 : i32
      %dma_start3A_610 = tpu.memref_slice %arg5[%add3A_605, %dma_start3A_609] : memref<160x128xi32, #tpu.memory_space<vmem>> -> memref<1x128xi32, #tpu.memory_space<vmem>>
      %dma_start3A_611 = tpu.memref_squeeze %dma_start3A_610 : memref<1x128xi32, #tpu.memory_space<vmem>> -> memref<128xi32, #tpu.memory_space<vmem>>
      %dma_start3A_612 = arith.constant 0 : i32
      %dma_start3A_613 = tpu.memref_slice %arg9[%dma_start3A_612] : memref<10240xf32, #tpu.memory_space<vmem_shared>> -> memref<10240xf32, #tpu.memory_space<vmem_shared>>
      tpu.enqueue_indirect_dma source(%dma_start3A_608 : memref<128xf32, #tpu.memory_space<vmem>>) target(%dma_start3A_613 : memref<10240xf32, #tpu.memory_space<vmem_shared>>) offsets(%dma_start3A_611 : memref<128xi32, #tpu.memory_space<vmem>>) semaphore(%arg11 : memref<!tpu.dma_semaphore, #tpu.memory_space<semaphore_mem>>) {add = true}
      %dma_wait3A_614 = arith.constant 0 : i32
      %dma_wait3A_615 = tpu.memref_slice %arg6[%add3A_297, %dma_wait3A_614] : memref<160x128xf32, #tpu.memory_space<vmem>> -> memref<1x128xf32, #tpu.memory_space<vmem>>
      %dma_wait3A_616 = tpu.memref_squeeze %dma_wait3A_615 : memref<1x128xf32, #tpu.memory_space<vmem>> -> memref<128xf32, #tpu.memory_space<vmem>>
      %dma_wait3A_617 = arith.constant 0 : i32
      %dma_wait3A_618 = tpu.memref_slice %arg5[%add3A_301, %dma_wait3A_617] : memref<160x128xi32, #tpu.memory_space<vmem>> -> memref<1x128xi32, #tpu.memory_space<vmem>>
      %dma_wait3A_619 = tpu.memref_squeeze %dma_wait3A_618 : memref<1x128xi32, #tpu.memory_space<vmem>> -> memref<128xi32, #tpu.memory_space<vmem>>
      %dma_wait3A_620 = arith.constant 0 : i32
      %dma_wait3A_621 = tpu.memref_slice %arg9[%dma_wait3A_620] : memref<10240xf32, #tpu.memory_space<vmem_shared>> -> memref<10240xf32, #tpu.memory_space<vmem_shared>>
      tpu.wait_indirect_dma semaphore(%arg11 : memref<!tpu.dma_semaphore, #tpu.memory_space<semaphore_mem>>) src(%dma_wait3A_616 : memref<128xf32, #tpu.memory_space<vmem>>) dst(%dma_wait3A_621 : memref<10240xf32, #tpu.memory_space<vmem_shared>>)
      %dma_wait3A_622 = arith.constant 0 : i32
      %dma_wait3A_623 = tpu.memref_slice %arg6[%add3A_313, %dma_wait3A_622] : memref<160x128xf32, #tpu.memory_space<vmem>> -> memref<1x128xf32, #tpu.memory_space<vmem>>
      %dma_wait3A_624 = tpu.memref_squeeze %dma_wait3A_623 : memref<1x128xf32, #tpu.memory_space<vmem>> -> memref<128xf32, #tpu.memory_space<vmem>>
      %dma_wait3A_625 = arith.constant 0 : i32
      %dma_wait3A_626 = tpu.memref_slice %arg5[%add3A_317, %dma_wait3A_625] : memref<160x128xi32, #tpu.memory_space<vmem>> -> memref<1x128xi32, #tpu.memory_space<vmem>>
      %dma_wait3A_627 = tpu.memref_squeeze %dma_wait3A_626 : memref<1x128xi32, #tpu.memory_space<vmem>> -> memref<128xi32, #tpu.memory_space<vmem>>
      %dma_wait3A_628 = arith.constant 0 : i32
      %dma_wait3A_629 = tpu.memref_slice %arg9[%dma_wait3A_628] : memref<10240xf32, #tpu.memory_space<vmem_shared>> -> memref<10240xf32, #tpu.memory_space<vmem_shared>>
      tpu.wait_indirect_dma semaphore(%arg11 : memref<!tpu.dma_semaphore, #tpu.memory_space<semaphore_mem>>) src(%dma_wait3A_624 : memref<128xf32, #tpu.memory_space<vmem>>) dst(%dma_wait3A_629 : memref<10240xf32, #tpu.memory_space<vmem_shared>>)
      %dma_wait3A_630 = arith.constant 0 : i32
      %dma_wait3A_631 = tpu.memref_slice %arg6[%add3A_329, %dma_wait3A_630] : memref<160x128xf32, #tpu.memory_space<vmem>> -> memref<1x128xf32, #tpu.memory_space<vmem>>
      %dma_wait3A_632 = tpu.memref_squeeze %dma_wait3A_631 : memref<1x128xf32, #tpu.memory_space<vmem>> -> memref<128xf32, #tpu.memory_space<vmem>>
      %dma_wait3A_633 = arith.constant 0 : i32
      %dma_wait3A_634 = tpu.memref_slice %arg5[%add3A_333, %dma_wait3A_633] : memref<160x128xi32, #tpu.memory_space<vmem>> -> memref<1x128xi32, #tpu.memory_space<vmem>>
      %dma_wait3A_635 = tpu.memref_squeeze %dma_wait3A_634 : memref<1x128xi32, #tpu.memory_space<vmem>> -> memref<128xi32, #tpu.memory_space<vmem>>
      %dma_wait3A_636 = arith.constant 0 : i32
      %dma_wait3A_637 = tpu.memref_slice %arg9[%dma_wait3A_636] : memref<10240xf32, #tpu.memory_space<vmem_shared>> -> memref<10240xf32, #tpu.memory_space<vmem_shared>>
      tpu.wait_indirect_dma semaphore(%arg11 : memref<!tpu.dma_semaphore, #tpu.memory_space<semaphore_mem>>) src(%dma_wait3A_632 : memref<128xf32, #tpu.memory_space<vmem>>) dst(%dma_wait3A_637 : memref<10240xf32, #tpu.memory_space<vmem_shared>>)
      %dma_wait3A_638 = arith.constant 0 : i32
      %dma_wait3A_639 = tpu.memref_slice %arg6[%add3A_345, %dma_wait3A_638] : memref<160x128xf32, #tpu.memory_space<vmem>> -> memref<1x128xf32, #tpu.memory_space<vmem>>
      %dma_wait3A_640 = tpu.memref_squeeze %dma_wait3A_639 : memref<1x128xf32, #tpu.memory_space<vmem>> -> memref<128xf32, #tpu.memory_space<vmem>>
      %dma_wait3A_641 = arith.constant 0 : i32
      %dma_wait3A_642 = tpu.memref_slice %arg5[%add3A_349, %dma_wait3A_641] : memref<160x128xi32, #tpu.memory_space<vmem>> -> memref<1x128xi32, #tpu.memory_space<vmem>>
      %dma_wait3A_643 = tpu.memref_squeeze %dma_wait3A_642 : memref<1x128xi32, #tpu.memory_space<vmem>> -> memref<128xi32, #tpu.memory_space<vmem>>
      %dma_wait3A_644 = arith.constant 0 : i32
      %dma_wait3A_645 = tpu.memref_slice %arg9[%dma_wait3A_644] : memref<10240xf32, #tpu.memory_space<vmem_shared>> -> memref<10240xf32, #tpu.memory_space<vmem_shared>>
      tpu.wait_indirect_dma semaphore(%arg11 : memref<!tpu.dma_semaphore, #tpu.memory_space<semaphore_mem>>) src(%dma_wait3A_640 : memref<128xf32, #tpu.memory_space<vmem>>) dst(%dma_wait3A_645 : memref<10240xf32, #tpu.memory_space<vmem_shared>>)
      %dma_wait3A_646 = arith.constant 0 : i32
      %dma_wait3A_647 = tpu.memref_slice %arg6[%add3A_361, %dma_wait3A_646] : memref<160x128xf32, #tpu.memory_space<vmem>> -> memref<1x128xf32, #tpu.memory_space<vmem>>
      %dma_wait3A_648 = tpu.memref_squeeze %dma_wait3A_647 : memref<1x128xf32, #tpu.memory_space<vmem>> -> memref<128xf32, #tpu.memory_space<vmem>>
      %dma_wait3A_649 = arith.constant 0 : i32
      %dma_wait3A_650 = tpu.memref_slice %arg5[%add3A_365, %dma_wait3A_649] : memref<160x128xi32, #tpu.memory_space<vmem>> -> memref<1x128xi32, #tpu.memory_space<vmem>>
      %dma_wait3A_651 = tpu.memref_squeeze %dma_wait3A_650 : memref<1x128xi32, #tpu.memory_space<vmem>> -> memref<128xi32, #tpu.memory_space<vmem>>
      %dma_wait3A_652 = arith.constant 0 : i32
      %dma_wait3A_653 = tpu.memref_slice %arg9[%dma_wait3A_652] : memref<10240xf32, #tpu.memory_space<vmem_shared>> -> memref<10240xf32, #tpu.memory_space<vmem_shared>>
      tpu.wait_indirect_dma semaphore(%arg11 : memref<!tpu.dma_semaphore, #tpu.memory_space<semaphore_mem>>) src(%dma_wait3A_648 : memref<128xf32, #tpu.memory_space<vmem>>) dst(%dma_wait3A_653 : memref<10240xf32, #tpu.memory_space<vmem_shared>>)
      %dma_wait3A_654 = arith.constant 0 : i32
      %dma_wait3A_655 = tpu.memref_slice %arg6[%add3A_377, %dma_wait3A_654] : memref<160x128xf32, #tpu.memory_space<vmem>> -> memref<1x128xf32, #tpu.memory_space<vmem>>
      %dma_wait3A_656 = tpu.memref_squeeze %dma_wait3A_655 : memref<1x128xf32, #tpu.memory_space<vmem>> -> memref<128xf32, #tpu.memory_space<vmem>>
      %dma_wait3A_657 = arith.constant 0 : i32
      %dma_wait3A_658 = tpu.memref_slice %arg5[%add3A_381, %dma_wait3A_657] : memref<160x128xi32, #tpu.memory_space<vmem>> -> memref<1x128xi32, #tpu.memory_space<vmem>>
      %dma_wait3A_659 = tpu.memref_squeeze %dma_wait3A_658 : memref<1x128xi32, #tpu.memory_space<vmem>> -> memref<128xi32, #tpu.memory_space<vmem>>
      %dma_wait3A_660 = arith.constant 0 : i32
      %dma_wait3A_661 = tpu.memref_slice %arg9[%dma_wait3A_660] : memref<10240xf32, #tpu.memory_space<vmem_shared>> -> memref<10240xf32, #tpu.memory_space<vmem_shared>>
      tpu.wait_indirect_dma semaphore(%arg11 : memref<!tpu.dma_semaphore, #tpu.memory_space<semaphore_mem>>) src(%dma_wait3A_656 : memref<128xf32, #tpu.memory_space<vmem>>) dst(%dma_wait3A_661 : memref<10240xf32, #tpu.memory_space<vmem_shared>>)
      %dma_wait3A_662 = arith.constant 0 : i32
      %dma_wait3A_663 = tpu.memref_slice %arg6[%add3A_393, %dma_wait3A_662] : memref<160x128xf32, #tpu.memory_space<vmem>> -> memref<1x128xf32, #tpu.memory_space<vmem>>
      %dma_wait3A_664 = tpu.memref_squeeze %dma_wait3A_663 : memref<1x128xf32, #tpu.memory_space<vmem>> -> memref<128xf32, #tpu.memory_space<vmem>>
      %dma_wait3A_665 = arith.constant 0 : i32
      %dma_wait3A_666 = tpu.memref_slice %arg5[%add3A_397, %dma_wait3A_665] : memref<160x128xi32, #tpu.memory_space<vmem>> -> memref<1x128xi32, #tpu.memory_space<vmem>>
      %dma_wait3A_667 = tpu.memref_squeeze %dma_wait3A_666 : memref<1x128xi32, #tpu.memory_space<vmem>> -> memref<128xi32, #tpu.memory_space<vmem>>
      %dma_wait3A_668 = arith.constant 0 : i32
      %dma_wait3A_669 = tpu.memref_slice %arg9[%dma_wait3A_668] : memref<10240xf32, #tpu.memory_space<vmem_shared>> -> memref<10240xf32, #tpu.memory_space<vmem_shared>>
      tpu.wait_indirect_dma semaphore(%arg11 : memref<!tpu.dma_semaphore, #tpu.memory_space<semaphore_mem>>) src(%dma_wait3A_664 : memref<128xf32, #tpu.memory_space<vmem>>) dst(%dma_wait3A_669 : memref<10240xf32, #tpu.memory_space<vmem_shared>>)
      %dma_wait3A_670 = arith.constant 0 : i32
      %dma_wait3A_671 = tpu.memref_slice %arg6[%add3A_409, %dma_wait3A_670] : memref<160x128xf32, #tpu.memory_space<vmem>> -> memref<1x128xf32, #tpu.memory_space<vmem>>
      %dma_wait3A_672 = tpu.memref_squeeze %dma_wait3A_671 : memref<1x128xf32, #tpu.memory_space<vmem>> -> memref<128xf32, #tpu.memory_space<vmem>>
      %dma_wait3A_673 = arith.constant 0 : i32
      %dma_wait3A_674 = tpu.memref_slice %arg5[%add3A_413, %dma_wait3A_673] : memref<160x128xi32, #tpu.memory_space<vmem>> -> memref<1x128xi32, #tpu.memory_space<vmem>>
      %dma_wait3A_675 = tpu.memref_squeeze %dma_wait3A_674 : memref<1x128xi32, #tpu.memory_space<vmem>> -> memref<128xi32, #tpu.memory_space<vmem>>
      %dma_wait3A_676 = arith.constant 0 : i32
      %dma_wait3A_677 = tpu.memref_slice %arg9[%dma_wait3A_676] : memref<10240xf32, #tpu.memory_space<vmem_shared>> -> memref<10240xf32, #tpu.memory_space<vmem_shared>>
      tpu.wait_indirect_dma semaphore(%arg11 : memref<!tpu.dma_semaphore, #tpu.memory_space<semaphore_mem>>) src(%dma_wait3A_672 : memref<128xf32, #tpu.memory_space<vmem>>) dst(%dma_wait3A_677 : memref<10240xf32, #tpu.memory_space<vmem_shared>>)
      %dma_wait3A_678 = arith.constant 0 : i32
      %dma_wait3A_679 = tpu.memref_slice %arg6[%add3A_425, %dma_wait3A_678] : memref<160x128xf32, #tpu.memory_space<vmem>> -> memref<1x128xf32, #tpu.memory_space<vmem>>
      %dma_wait3A_680 = tpu.memref_squeeze %dma_wait3A_679 : memref<1x128xf32, #tpu.memory_space<vmem>> -> memref<128xf32, #tpu.memory_space<vmem>>
      %dma_wait3A_681 = arith.constant 0 : i32
      %dma_wait3A_682 = tpu.memref_slice %arg5[%add3A_429, %dma_wait3A_681] : memref<160x128xi32, #tpu.memory_space<vmem>> -> memref<1x128xi32, #tpu.memory_space<vmem>>
      %dma_wait3A_683 = tpu.memref_squeeze %dma_wait3A_682 : memref<1x128xi32, #tpu.memory_space<vmem>> -> memref<128xi32, #tpu.memory_space<vmem>>
      %dma_wait3A_684 = arith.constant 0 : i32
      %dma_wait3A_685 = tpu.memref_slice %arg9[%dma_wait3A_684] : memref<10240xf32, #tpu.memory_space<vmem_shared>> -> memref<10240xf32, #tpu.memory_space<vmem_shared>>
      tpu.wait_indirect_dma semaphore(%arg11 : memref<!tpu.dma_semaphore, #tpu.memory_space<semaphore_mem>>) src(%dma_wait3A_680 : memref<128xf32, #tpu.memory_space<vmem>>) dst(%dma_wait3A_685 : memref<10240xf32, #tpu.memory_space<vmem_shared>>)
      %dma_wait3A_686 = arith.constant 0 : i32
      %dma_wait3A_687 = tpu.memref_slice %arg6[%add3A_441, %dma_wait3A_686] : memref<160x128xf32, #tpu.memory_space<vmem>> -> memref<1x128xf32, #tpu.memory_space<vmem>>
      %dma_wait3A_688 = tpu.memref_squeeze %dma_wait3A_687 : memref<1x128xf32, #tpu.memory_space<vmem>> -> memref<128xf32, #tpu.memory_space<vmem>>
      %dma_wait3A_689 = arith.constant 0 : i32
      %dma_wait3A_690 = tpu.memref_slice %arg5[%add3A_445, %dma_wait3A_689] : memref<160x128xi32, #tpu.memory_space<vmem>> -> memref<1x128xi32, #tpu.memory_space<vmem>>
      %dma_wait3A_691 = tpu.memref_squeeze %dma_wait3A_690 : memref<1x128xi32, #tpu.memory_space<vmem>> -> memref<128xi32, #tpu.memory_space<vmem>>
      %dma_wait3A_692 = arith.constant 0 : i32
      %dma_wait3A_693 = tpu.memref_slice %arg9[%dma_wait3A_692] : memref<10240xf32, #tpu.memory_space<vmem_shared>> -> memref<10240xf32, #tpu.memory_space<vmem_shared>>
      tpu.wait_indirect_dma semaphore(%arg11 : memref<!tpu.dma_semaphore, #tpu.memory_space<semaphore_mem>>) src(%dma_wait3A_688 : memref<128xf32, #tpu.memory_space<vmem>>) dst(%dma_wait3A_693 : memref<10240xf32, #tpu.memory_space<vmem_shared>>)
      %dma_wait3A_694 = arith.constant 0 : i32
      %dma_wait3A_695 = tpu.memref_slice %arg6[%add3A_457, %dma_wait3A_694] : memref<160x128xf32, #tpu.memory_space<vmem>> -> memref<1x128xf32, #tpu.memory_space<vmem>>
      %dma_wait3A_696 = tpu.memref_squeeze %dma_wait3A_695 : memref<1x128xf32, #tpu.memory_space<vmem>> -> memref<128xf32, #tpu.memory_space<vmem>>
      %dma_wait3A_697 = arith.constant 0 : i32
      %dma_wait3A_698 = tpu.memref_slice %arg5[%add3A_461, %dma_wait3A_697] : memref<160x128xi32, #tpu.memory_space<vmem>> -> memref<1x128xi32, #tpu.memory_space<vmem>>
      %dma_wait3A_699 = tpu.memref_squeeze %dma_wait3A_698 : memref<1x128xi32, #tpu.memory_space<vmem>> -> memref<128xi32, #tpu.memory_space<vmem>>
      %dma_wait3A_700 = arith.constant 0 : i32
      %dma_wait3A_701 = tpu.memref_slice %arg9[%dma_wait3A_700] : memref<10240xf32, #tpu.memory_space<vmem_shared>> -> memref<10240xf32, #tpu.memory_space<vmem_shared>>
      tpu.wait_indirect_dma semaphore(%arg11 : memref<!tpu.dma_semaphore, #tpu.memory_space<semaphore_mem>>) src(%dma_wait3A_696 : memref<128xf32, #tpu.memory_space<vmem>>) dst(%dma_wait3A_701 : memref<10240xf32, #tpu.memory_space<vmem_shared>>)
      %dma_wait3A_702 = arith.constant 0 : i32
      %dma_wait3A_703 = tpu.memref_slice %arg6[%add3A_473, %dma_wait3A_702] : memref<160x128xf32, #tpu.memory_space<vmem>> -> memref<1x128xf32, #tpu.memory_space<vmem>>
      %dma_wait3A_704 = tpu.memref_squeeze %dma_wait3A_703 : memref<1x128xf32, #tpu.memory_space<vmem>> -> memref<128xf32, #tpu.memory_space<vmem>>
      %dma_wait3A_705 = arith.constant 0 : i32
      %dma_wait3A_706 = tpu.memref_slice %arg5[%add3A_477, %dma_wait3A_705] : memref<160x128xi32, #tpu.memory_space<vmem>> -> memref<1x128xi32, #tpu.memory_space<vmem>>
      %dma_wait3A_707 = tpu.memref_squeeze %dma_wait3A_706 : memref<1x128xi32, #tpu.memory_space<vmem>> -> memref<128xi32, #tpu.memory_space<vmem>>
      %dma_wait3A_708 = arith.constant 0 : i32
      %dma_wait3A_709 = tpu.memref_slice %arg9[%dma_wait3A_708] : memref<10240xf32, #tpu.memory_space<vmem_shared>> -> memref<10240xf32, #tpu.memory_space<vmem_shared>>
      tpu.wait_indirect_dma semaphore(%arg11 : memref<!tpu.dma_semaphore, #tpu.memory_space<semaphore_mem>>) src(%dma_wait3A_704 : memref<128xf32, #tpu.memory_space<vmem>>) dst(%dma_wait3A_709 : memref<10240xf32, #tpu.memory_space<vmem_shared>>)
      %dma_wait3A_710 = arith.constant 0 : i32
      %dma_wait3A_711 = tpu.memref_slice %arg6[%add3A_489, %dma_wait3A_710] : memref<160x128xf32, #tpu.memory_space<vmem>> -> memref<1x128xf32, #tpu.memory_space<vmem>>
      %dma_wait3A_712 = tpu.memref_squeeze %dma_wait3A_711 : memref<1x128xf32, #tpu.memory_space<vmem>> -> memref<128xf32, #tpu.memory_space<vmem>>
      %dma_wait3A_713 = arith.constant 0 : i32
      %dma_wait3A_714 = tpu.memref_slice %arg5[%add3A_493, %dma_wait3A_713] : memref<160x128xi32, #tpu.memory_space<vmem>> -> memref<1x128xi32, #tpu.memory_space<vmem>>
      %dma_wait3A_715 = tpu.memref_squeeze %dma_wait3A_714 : memref<1x128xi32, #tpu.memory_space<vmem>> -> memref<128xi32, #tpu.memory_space<vmem>>
      %dma_wait3A_716 = arith.constant 0 : i32
      %dma_wait3A_717 = tpu.memref_slice %arg9[%dma_wait3A_716] : memref<10240xf32, #tpu.memory_space<vmem_shared>> -> memref<10240xf32, #tpu.memory_space<vmem_shared>>
      tpu.wait_indirect_dma semaphore(%arg11 : memref<!tpu.dma_semaphore, #tpu.memory_space<semaphore_mem>>) src(%dma_wait3A_712 : memref<128xf32, #tpu.memory_space<vmem>>) dst(%dma_wait3A_717 : memref<10240xf32, #tpu.memory_space<vmem_shared>>)
      %dma_wait3A_718 = arith.constant 0 : i32
      %dma_wait3A_719 = tpu.memref_slice %arg6[%add3A_505, %dma_wait3A_718] : memref<160x128xf32, #tpu.memory_space<vmem>> -> memref<1x128xf32, #tpu.memory_space<vmem>>
      %dma_wait3A_720 = tpu.memref_squeeze %dma_wait3A_719 : memref<1x128xf32, #tpu.memory_space<vmem>> -> memref<128xf32, #tpu.memory_space<vmem>>
      %dma_wait3A_721 = arith.constant 0 : i32
      %dma_wait3A_722 = tpu.memref_slice %arg5[%add3A_509, %dma_wait3A_721] : memref<160x128xi32, #tpu.memory_space<vmem>> -> memref<1x128xi32, #tpu.memory_space<vmem>>
      %dma_wait3A_723 = tpu.memref_squeeze %dma_wait3A_722 : memref<1x128xi32, #tpu.memory_space<vmem>> -> memref<128xi32, #tpu.memory_space<vmem>>
      %dma_wait3A_724 = arith.constant 0 : i32
      %dma_wait3A_725 = tpu.memref_slice %arg9[%dma_wait3A_724] : memref<10240xf32, #tpu.memory_space<vmem_shared>> -> memref<10240xf32, #tpu.memory_space<vmem_shared>>
      tpu.wait_indirect_dma semaphore(%arg11 : memref<!tpu.dma_semaphore, #tpu.memory_space<semaphore_mem>>) src(%dma_wait3A_720 : memref<128xf32, #tpu.memory_space<vmem>>) dst(%dma_wait3A_725 : memref<10240xf32, #tpu.memory_space<vmem_shared>>)
      %dma_wait3A_726 = arith.constant 0 : i32
      %dma_wait3A_727 = tpu.memref_slice %arg6[%add3A_521, %dma_wait3A_726] : memref<160x128xf32, #tpu.memory_space<vmem>> -> memref<1x128xf32, #tpu.memory_space<vmem>>
      %dma_wait3A_728 = tpu.memref_squeeze %dma_wait3A_727 : memref<1x128xf32, #tpu.memory_space<vmem>> -> memref<128xf32, #tpu.memory_space<vmem>>
      %dma_wait3A_729 = arith.constant 0 : i32
      %dma_wait3A_730 = tpu.memref_slice %arg5[%add3A_525, %dma_wait3A_729] : memref<160x128xi32, #tpu.memory_space<vmem>> -> memref<1x128xi32, #tpu.memory_space<vmem>>
      %dma_wait3A_731 = tpu.memref_squeeze %dma_wait3A_730 : memref<1x128xi32, #tpu.memory_space<vmem>> -> memref<128xi32, #tpu.memory_space<vmem>>
      %dma_wait3A_732 = arith.constant 0 : i32
      %dma_wait3A_733 = tpu.memref_slice %arg9[%dma_wait3A_732] : memref<10240xf32, #tpu.memory_space<vmem_shared>> -> memref<10240xf32, #tpu.memory_space<vmem_shared>>
      tpu.wait_indirect_dma semaphore(%arg11 : memref<!tpu.dma_semaphore, #tpu.memory_space<semaphore_mem>>) src(%dma_wait3A_728 : memref<128xf32, #tpu.memory_space<vmem>>) dst(%dma_wait3A_733 : memref<10240xf32, #tpu.memory_space<vmem_shared>>)
      %dma_wait3A_734 = arith.constant 0 : i32
      %dma_wait3A_735 = tpu.memref_slice %arg6[%add3A_537, %dma_wait3A_734] : memref<160x128xf32, #tpu.memory_space<vmem>> -> memref<1x128xf32, #tpu.memory_space<vmem>>
      %dma_wait3A_736 = tpu.memref_squeeze %dma_wait3A_735 : memref<1x128xf32, #tpu.memory_space<vmem>> -> memref<128xf32, #tpu.memory_space<vmem>>
      %dma_wait3A_737 = arith.constant 0 : i32
      %dma_wait3A_738 = tpu.memref_slice %arg5[%add3A_541, %dma_wait3A_737] : memref<160x128xi32, #tpu.memory_space<vmem>> -> memref<1x128xi32, #tpu.memory_space<vmem>>
      %dma_wait3A_739 = tpu.memref_squeeze %dma_wait3A_738 : memref<1x128xi32, #tpu.memory_space<vmem>> -> memref<128xi32, #tpu.memory_space<vmem>>
      %dma_wait3A_740 = arith.constant 0 : i32
      %dma_wait3A_741 = tpu.memref_slice %arg9[%dma_wait3A_740] : memref<10240xf32, #tpu.memory_space<vmem_shared>> -> memref<10240xf32, #tpu.memory_space<vmem_shared>>
      tpu.wait_indirect_dma semaphore(%arg11 : memref<!tpu.dma_semaphore, #tpu.memory_space<semaphore_mem>>) src(%dma_wait3A_736 : memref<128xf32, #tpu.memory_space<vmem>>) dst(%dma_wait3A_741 : memref<10240xf32, #tpu.memory_space<vmem_shared>>)
      %dma_wait3A_742 = arith.constant 0 : i32
      %dma_wait3A_743 = tpu.memref_slice %arg6[%add3A_553, %dma_wait3A_742] : memref<160x128xf32, #tpu.memory_space<vmem>> -> memref<1x128xf32, #tpu.memory_space<vmem>>
      %dma_wait3A_744 = tpu.memref_squeeze %dma_wait3A_743 : memref<1x128xf32, #tpu.memory_space<vmem>> -> memref<128xf32, #tpu.memory_space<vmem>>
      %dma_wait3A_745 = arith.constant 0 : i32
      %dma_wait3A_746 = tpu.memref_slice %arg5[%add3A_557, %dma_wait3A_745] : memref<160x128xi32, #tpu.memory_space<vmem>> -> memref<1x128xi32, #tpu.memory_space<vmem>>
      %dma_wait3A_747 = tpu.memref_squeeze %dma_wait3A_746 : memref<1x128xi32, #tpu.memory_space<vmem>> -> memref<128xi32, #tpu.memory_space<vmem>>
      %dma_wait3A_748 = arith.constant 0 : i32
      %dma_wait3A_749 = tpu.memref_slice %arg9[%dma_wait3A_748] : memref<10240xf32, #tpu.memory_space<vmem_shared>> -> memref<10240xf32, #tpu.memory_space<vmem_shared>>
      tpu.wait_indirect_dma semaphore(%arg11 : memref<!tpu.dma_semaphore, #tpu.memory_space<semaphore_mem>>) src(%dma_wait3A_744 : memref<128xf32, #tpu.memory_space<vmem>>) dst(%dma_wait3A_749 : memref<10240xf32, #tpu.memory_space<vmem_shared>>)
      %dma_wait3A_750 = arith.constant 0 : i32
      %dma_wait3A_751 = tpu.memref_slice %arg6[%add3A_569, %dma_wait3A_750] : memref<160x128xf32, #tpu.memory_space<vmem>> -> memref<1x128xf32, #tpu.memory_space<vmem>>
      %dma_wait3A_752 = tpu.memref_squeeze %dma_wait3A_751 : memref<1x128xf32, #tpu.memory_space<vmem>> -> memref<128xf32, #tpu.memory_space<vmem>>
      %dma_wait3A_753 = arith.constant 0 : i32
      %dma_wait3A_754 = tpu.memref_slice %arg5[%add3A_573, %dma_wait3A_753] : memref<160x128xi32, #tpu.memory_space<vmem>> -> memref<1x128xi32, #tpu.memory_space<vmem>>
      %dma_wait3A_755 = tpu.memref_squeeze %dma_wait3A_754 : memref<1x128xi32, #tpu.memory_space<vmem>> -> memref<128xi32, #tpu.memory_space<vmem>>
      %dma_wait3A_756 = arith.constant 0 : i32
      %dma_wait3A_757 = tpu.memref_slice %arg9[%dma_wait3A_756] : memref<10240xf32, #tpu.memory_space<vmem_shared>> -> memref<10240xf32, #tpu.memory_space<vmem_shared>>
      tpu.wait_indirect_dma semaphore(%arg11 : memref<!tpu.dma_semaphore, #tpu.memory_space<semaphore_mem>>) src(%dma_wait3A_752 : memref<128xf32, #tpu.memory_space<vmem>>) dst(%dma_wait3A_757 : memref<10240xf32, #tpu.memory_space<vmem_shared>>)
      %dma_wait3A_758 = arith.constant 0 : i32
      %dma_wait3A_759 = tpu.memref_slice %arg6[%add3A_585, %dma_wait3A_758] : memref<160x128xf32, #tpu.memory_space<vmem>> -> memref<1x128xf32, #tpu.memory_space<vmem>>
      %dma_wait3A_760 = tpu.memref_squeeze %dma_wait3A_759 : memref<1x128xf32, #tpu.memory_space<vmem>> -> memref<128xf32, #tpu.memory_space<vmem>>
      %dma_wait3A_761 = arith.constant 0 : i32
      %dma_wait3A_762 = tpu.memref_slice %arg5[%add3A_589, %dma_wait3A_761] : memref<160x128xi32, #tpu.memory_space<vmem>> -> memref<1x128xi32, #tpu.memory_space<vmem>>
      %dma_wait3A_763 = tpu.memref_squeeze %dma_wait3A_762 : memref<1x128xi32, #tpu.memory_space<vmem>> -> memref<128xi32, #tpu.memory_space<vmem>>
      %dma_wait3A_764 = arith.constant 0 : i32
      %dma_wait3A_765 = tpu.memref_slice %arg9[%dma_wait3A_764] : memref<10240xf32, #tpu.memory_space<vmem_shared>> -> memref<10240xf32, #tpu.memory_space<vmem_shared>>
      tpu.wait_indirect_dma semaphore(%arg11 : memref<!tpu.dma_semaphore, #tpu.memory_space<semaphore_mem>>) src(%dma_wait3A_760 : memref<128xf32, #tpu.memory_space<vmem>>) dst(%dma_wait3A_765 : memref<10240xf32, #tpu.memory_space<vmem_shared>>)
      %dma_wait3A_766 = arith.constant 0 : i32
      %dma_wait3A_767 = tpu.memref_slice %arg6[%add3A_601, %dma_wait3A_766] : memref<160x128xf32, #tpu.memory_space<vmem>> -> memref<1x128xf32, #tpu.memory_space<vmem>>
      %dma_wait3A_768 = tpu.memref_squeeze %dma_wait3A_767 : memref<1x128xf32, #tpu.memory_space<vmem>> -> memref<128xf32, #tpu.memory_space<vmem>>
      %dma_wait3A_769 = arith.constant 0 : i32
      %dma_wait3A_770 = tpu.memref_slice %arg5[%add3A_605, %dma_wait3A_769] : memref<160x128xi32, #tpu.memory_space<vmem>> -> memref<1x128xi32, #tpu.memory_space<vmem>>
      %dma_wait3A_771 = tpu.memref_squeeze %dma_wait3A_770 : memref<1x128xi32, #tpu.memory_space<vmem>> -> memref<128xi32, #tpu.memory_space<vmem>>
      %dma_wait3A_772 = arith.constant 0 : i32
      %dma_wait3A_773 = tpu.memref_slice %arg9[%dma_wait3A_772] : memref<10240xf32, #tpu.memory_space<vmem_shared>> -> memref<10240xf32, #tpu.memory_space<vmem_shared>>
      tpu.wait_indirect_dma semaphore(%arg11 : memref<!tpu.dma_semaphore, #tpu.memory_space<semaphore_mem>>) src(%dma_wait3A_768 : memref<128xf32, #tpu.memory_space<vmem>>) dst(%dma_wait3A_773 : memref<10240xf32, #tpu.memory_space<vmem_shared>>)
    }
    %while3A_286 = arith.constant 1 : i32
    scf.for %while3A_294 = %while3A_284 to %while3A_280 step %while3A_286  : i32 {
      %mul3A_295 = arith.constant 20 : i32
      %mul3A_296 = arith.muli %while3A_294, %mul3A_295 : i32
      %add3A = arith.constant 0 : i32
      %add3A_297 = arith.addi %mul3A_296, %add3A : i32
      %mul3A_298 = arith.constant 20 : i32
      %mul3A_299 = arith.muli %while3A_294, %mul3A_298 : i32
      %add3A_300 = arith.constant 0 : i32
      %add3A_301 = arith.addi %mul3A_299, %add3A_300 : i32
      %dma_start3A_302 = arith.constant 0 : i32
      %dma_start3A_303 = tpu.memref_slice %arg6[%add3A_297, %dma_start3A_302] : memref<160x128xf32, #tpu.memory_space<vmem>> -> memref<1x128xf32, #tpu.memory_space<vmem>>
      %dma_start3A_304 = tpu.memref_squeeze %dma_start3A_303 : memref<1x128xf32, #tpu.memory_space<vmem>> -> memref<128xf32, #tpu.memory_space<vmem>>
      %dma_start3A_305 = arith.constant 0 : i32
      %dma_start3A_306 = tpu.memref_slice %arg5[%add3A_301, %dma_start3A_305] : memref<160x128xi32, #tpu.memory_space<vmem>> -> memref<1x128xi32, #tpu.memory_space<vmem>>
      %dma_start3A_307 = tpu.memref_squeeze %dma_start3A_306 : memref<1x128xi32, #tpu.memory_space<vmem>> -> memref<128xi32, #tpu.memory_space<vmem>>
      %dma_start3A_308 = arith.constant 0 : i32
      %dma_start3A_309 = tpu.memref_slice %arg9[%dma_start3A_308] : memref<10240xf32, #tpu.memory_space<vmem_shared>> -> memref<10240xf32, #tpu.memory_space<vmem_shared>>
      tpu.enqueue_indirect_dma source(%dma_start3A_304 : memref<128xf32, #tpu.memory_space<vmem>>) target(%dma_start3A_309 : memref<10240xf32, #tpu.memory_space<vmem_shared>>) offsets(%dma_start3A_307 : memref<128xi32, #tpu.memory_space<vmem>>) semaphore(%arg11 : memref<!tpu.dma_semaphore, #tpu.memory_space<semaphore_mem>>) {add = true}
      %mul3A_310 = arith.constant 20 : i32
      %mul3A_311 = arith.muli %while3A_294, %mul3A_310 : i32
      %add3A_312 = arith.constant 1 : i32
      %add3A_313 = arith.addi %mul3A_311, %add3A_312 : i32
      %mul3A_314 = arith.constant 20 : i32
      %mul3A_315 = arith.muli %while3A_294, %mul3A_314 : i32
      %add3A_316 = arith.constant 1 : i32
      %add3A_317 = arith.addi %mul3A_315, %add3A_316 : i32
      %dma_start3A_318 = arith.constant 0 : i32
      %dma_start3A_319 = tpu.memref_slice %arg6[%add3A_313, %dma_start3A_318] : memref<160x128xf32, #tpu.memory_space<vmem>> -> memref<1x128xf32, #tpu.memory_space<vmem>>
      %dma_start3A_320 = tpu.memref_squeeze %dma_start3A_319 : memref<1x128xf32, #tpu.memory_space<vmem>> -> memref<128xf32, #tpu.memory_space<vmem>>
      %dma_start3A_321 = arith.constant 0 : i32
      %dma_start3A_322 = tpu.memref_slice %arg5[%add3A_317, %dma_start3A_321] : memref<160x128xi32, #tpu.memory_space<vmem>> -> memref<1x128xi32, #tpu.memory_space<vmem>>
      %dma_start3A_323 = tpu.memref_squeeze %dma_start3A_322 : memref<1x128xi32, #tpu.memory_space<vmem>> -> memref<128xi32, #tpu.memory_space<vmem>>
      %dma_start3A_324 = arith.constant 0 : i32
      %dma_start3A_325 = tpu.memref_slice %arg9[%dma_start3A_324] : memref<10240xf32, #tpu.memory_space<vmem_shared>> -> memref<10240xf32, #tpu.memory_space<vmem_shared>>
      tpu.enqueue_indirect_dma source(%dma_start3A_320 : memref<128xf32, #tpu.memory_space<vmem>>) target(%dma_start3A_325 : memref<10240xf32, #tpu.memory_space<vmem_shared>>) offsets(%dma_start3A_323 : memref<128xi32, #tpu.memory_space<vmem>>) semaphore(%arg11 : memref<!tpu.dma_semaphore, #tpu.memory_space<semaphore_mem>>) {add = true}
      %mul3A_326 = arith.constant 20 : i32
      %mul3A_327 = arith.muli %while3A_294, %mul3A_326 : i32
      %add3A_328 = arith.constant 2 : i32
      %add3A_329 = arith.addi %mul3A_327, %add3A_328 : i32
      %mul3A_330 = arith.constant 20 : i32
      %mul3A_331 = arith.muli %while3A_294, %mul3A_330 : i32
      %add3A_332 = arith.constant 2 : i32
      %add3A_333 = arith.addi %mul3A_331, %add3A_332 : i32
      %dma_start3A_334 = arith.constant 0 : i32
      %dma_start3A_335 = tpu.memref_slice %arg6[%add3A_329, %dma_start3A_334] : memref<160x128xf32, #tpu.memory_space<vmem>> -> memref<1x128xf32, #tpu.memory_space<vmem>>
      %dma_start3A_336 = tpu.memref_squeeze %dma_start3A_335 : memref<1x128xf32, #tpu.memory_space<vmem>> -> memref<128xf32, #tpu.memory_space<vmem>>
      %dma_start3A_337 = arith.constant 0 : i32
      %dma_start3A_338 = tpu.memref_slice %arg5[%add3A_333, %dma_start3A_337] : memref<160x128xi32, #tpu.memory_space<vmem>> -> memref<1x128xi32, #tpu.memory_space<vmem>>
      %dma_start3A_339 = tpu.memref_squeeze %dma_start3A_338 : memref<1x128xi32, #tpu.memory_space<vmem>> -> memref<128xi32, #tpu.memory_space<vmem>>
      %dma_start3A_340 = arith.constant 0 : i32
      %dma_start3A_341 = tpu.memref_slice %arg9[%dma_start3A_340] : memref<10240xf32, #tpu.memory_space<vmem_shared>> -> memref<10240xf32, #tpu.memory_space<vmem_shared>>
      tpu.enqueue_indirect_dma source(%dma_start3A_336 : memref<128xf32, #tpu.memory_space<vmem>>) target(%dma_start3A_341 : memref<10240xf32, #tpu.memory_space<vmem_shared>>) offsets(%dma_start3A_339 : memref<128xi32, #tpu.memory_space<vmem>>) semaphore(%arg11 : memref<!tpu.dma_semaphore, #tpu.memory_space<semaphore_mem>>) {add = true}
      %mul3A_342 = arith.constant 20 : i32
      %mul3A_343 = arith.muli %while3A_294, %mul3A_342 : i32
      %add3A_344 = arith.constant 3 : i32
      %add3A_345 = arith.addi %mul3A_343, %add3A_344 : i32
      %mul3A_346 = arith.constant 20 : i32
      %mul3A_347 = arith.muli %while3A_294, %mul3A_346 : i32
      %add3A_348 = arith.constant 3 : i32
      %add3A_349 = arith.addi %mul3A_347, %add3A_348 : i32
      %dma_start3A_350 = arith.constant 0 : i32
      %dma_start3A_351 = tpu.memref_slice %arg6[%add3A_345, %dma_start3A_350] : memref<160x128xf32, #tpu.memory_space<vmem>> -> memref<1x128xf32, #tpu.memory_space<vmem>>
      %dma_start3A_352 = tpu.memref_squeeze %dma_start3A_351 : memref<1x128xf32, #tpu.memory_space<vmem>> -> memref<128xf32, #tpu.memory_space<vmem>>
      %dma_start3A_353 = arith.constant 0 : i32
      %dma_start3A_354 = tpu.memref_slice %arg5[%add3A_349, %dma_start3A_353] : memref<160x128xi32, #tpu.memory_space<vmem>> -> memref<1x128xi32, #tpu.memory_space<vmem>>
      %dma_start3A_355 = tpu.memref_squeeze %dma_start3A_354 : memref<1x128xi32, #tpu.memory_space<vmem>> -> memref<128xi32, #tpu.memory_space<vmem>>
      %dma_start3A_356 = arith.constant 0 : i32
      %dma_start3A_357 = tpu.memref_slice %arg9[%dma_start3A_356] : memref<10240xf32, #tpu.memory_space<vmem_shared>> -> memref<10240xf32, #tpu.memory_space<vmem_shared>>
      tpu.enqueue_indirect_dma source(%dma_start3A_352 : memref<128xf32, #tpu.memory_space<vmem>>) target(%dma_start3A_357 : memref<10240xf32, #tpu.memory_space<vmem_shared>>) offsets(%dma_start3A_355 : memref<128xi32, #tpu.memory_space<vmem>>) semaphore(%arg11 : memref<!tpu.dma_semaphore, #tpu.memory_space<semaphore_mem>>) {add = true}
      %mul3A_358 = arith.constant 20 : i32
      %mul3A_359 = arith.muli %while3A_294, %mul3A_358 : i32
      %add3A_360 = arith.constant 4 : i32
      %add3A_361 = arith.addi %mul3A_359, %add3A_360 : i32
      %mul3A_362 = arith.constant 20 : i32
      %mul3A_363 = arith.muli %while3A_294, %mul3A_362 : i32
      %add3A_364 = arith.constant 4 : i32
      %add3A_365 = arith.addi %mul3A_363, %add3A_364 : i32
      %dma_start3A_366 = arith.constant 0 : i32
      %dma_start3A_367 = tpu.memref_slice %arg6[%add3A_361, %dma_start3A_366] : memref<160x128xf32, #tpu.memory_space<vmem>> -> memref<1x128xf32, #tpu.memory_space<vmem>>
      %dma_start3A_368 = tpu.memref_squeeze %dma_start3A_367 : memref<1x128xf32, #tpu.memory_space<vmem>> -> memref<128xf32, #tpu.memory_space<vmem>>
      %dma_start3A_369 = arith.constant 0 : i32
      %dma_start3A_370 = tpu.memref_slice %arg5[%add3A_365, %dma_start3A_369] : memref<160x128xi32, #tpu.memory_space<vmem>> -> memref<1x128xi32, #tpu.memory_space<vmem>>
      %dma_start3A_371 = tpu.memref_squeeze %dma_start3A_370 : memref<1x128xi32, #tpu.memory_space<vmem>> -> memref<128xi32, #tpu.memory_space<vmem>>
      %dma_start3A_372 = arith.constant 0 : i32
      %dma_start3A_373 = tpu.memref_slice %arg9[%dma_start3A_372] : memref<10240xf32, #tpu.memory_space<vmem_shared>> -> memref<10240xf32, #tpu.memory_space<vmem_shared>>
      tpu.enqueue_indirect_dma source(%dma_start3A_368 : memref<128xf32, #tpu.memory_space<vmem>>) target(%dma_start3A_373 : memref<10240xf32, #tpu.memory_space<vmem_shared>>) offsets(%dma_start3A_371 : memref<128xi32, #tpu.memory_space<vmem>>) semaphore(%arg11 : memref<!tpu.dma_semaphore, #tpu.memory_space<semaphore_mem>>) {add = true}
      %mul3A_374 = arith.constant 20 : i32
      %mul3A_375 = arith.muli %while3A_294, %mul3A_374 : i32
      %add3A_376 = arith.constant 5 : i32
      %add3A_377 = arith.addi %mul3A_375, %add3A_376 : i32
      %mul3A_378 = arith.constant 20 : i32
      %mul3A_379 = arith.muli %while3A_294, %mul3A_378 : i32
      %add3A_380 = arith.constant 5 : i32
      %add3A_381 = arith.addi %mul3A_379, %add3A_380 : i32
      %dma_start3A_382 = arith.constant 0 : i32
      %dma_start3A_383 = tpu.memref_slice %arg6[%add3A_377, %dma_start3A_382] : memref<160x128xf32, #tpu.memory_space<vmem>> -> memref<1x128xf32, #tpu.memory_space<vmem>>
      %dma_start3A_384 = tpu.memref_squeeze %dma_start3A_383 : memref<1x128xf32, #tpu.memory_space<vmem>> -> memref<128xf32, #tpu.memory_space<vmem>>
      %dma_start3A_385 = arith.constant 0 : i32
      %dma_start3A_386 = tpu.memref_slice %arg5[%add3A_381, %dma_start3A_385] : memref<160x128xi32, #tpu.memory_space<vmem>> -> memref<1x128xi32, #tpu.memory_space<vmem>>
      %dma_start3A_387 = tpu.memref_squeeze %dma_start3A_386 : memref<1x128xi32, #tpu.memory_space<vmem>> -> memref<128xi32, #tpu.memory_space<vmem>>
      %dma_start3A_388 = arith.constant 0 : i32
      %dma_start3A_389 = tpu.memref_slice %arg9[%dma_start3A_388] : memref<10240xf32, #tpu.memory_space<vmem_shared>> -> memref<10240xf32, #tpu.memory_space<vmem_shared>>
      tpu.enqueue_indirect_dma source(%dma_start3A_384 : memref<128xf32, #tpu.memory_space<vmem>>) target(%dma_start3A_389 : memref<10240xf32, #tpu.memory_space<vmem_shared>>) offsets(%dma_start3A_387 : memref<128xi32, #tpu.memory_space<vmem>>) semaphore(%arg11 : memref<!tpu.dma_semaphore, #tpu.memory_space<semaphore_mem>>) {add = true}
      %mul3A_390 = arith.constant 20 : i32
      %mul3A_391 = arith.muli %while3A_294, %mul3A_390 : i32
      %add3A_392 = arith.constant 6 : i32
      %add3A_393 = arith.addi %mul3A_391, %add3A_392 : i32
      %mul3A_394 = arith.constant 20 : i32
      %mul3A_395 = arith.muli %while3A_294, %mul3A_394 : i32
      %add3A_396 = arith.constant 6 : i32
      %add3A_397 = arith.addi %mul3A_395, %add3A_396 : i32
      %dma_start3A_398 = arith.constant 0 : i32
      %dma_start3A_399 = tpu.memref_slice %arg6[%add3A_393, %dma_start3A_398] : memref<160x128xf32, #tpu.memory_space<vmem>> -> memref<1x128xf32, #tpu.memory_space<vmem>>
      %dma_start3A_400 = tpu.memref_squeeze %dma_start3A_399 : memref<1x128xf32, #tpu.memory_space<vmem>> -> memref<128xf32, #tpu.memory_space<vmem>>
      %dma_start3A_401 = arith.constant 0 : i32
      %dma_start3A_402 = tpu.memref_slice %arg5[%add3A_397, %dma_start3A_401] : memref<160x128xi32, #tpu.memory_space<vmem>> -> memref<1x128xi32, #tpu.memory_space<vmem>>
      %dma_start3A_403 = tpu.memref_squeeze %dma_start3A_402 : memref<1x128xi32, #tpu.memory_space<vmem>> -> memref<128xi32, #tpu.memory_space<vmem>>
      %dma_start3A_404 = arith.constant 0 : i32
      %dma_start3A_405 = tpu.memref_slice %arg9[%dma_start3A_404] : memref<10240xf32, #tpu.memory_space<vmem_shared>> -> memref<10240xf32, #tpu.memory_space<vmem_shared>>
      tpu.enqueue_indirect_dma source(%dma_start3A_400 : memref<128xf32, #tpu.memory_space<vmem>>) target(%dma_start3A_405 : memref<10240xf32, #tpu.memory_space<vmem_shared>>) offsets(%dma_start3A_403 : memref<128xi32, #tpu.memory_space<vmem>>) semaphore(%arg11 : memref<!tpu.dma_semaphore, #tpu.memory_space<semaphore_mem>>) {add = true}
      %mul3A_406 = arith.constant 20 : i32
      %mul3A_407 = arith.muli %while3A_294, %mul3A_406 : i32
      %add3A_408 = arith.constant 7 : i32
      %add3A_409 = arith.addi %mul3A_407, %add3A_408 : i32
      %mul3A_410 = arith.constant 20 : i32
      %mul3A_411 = arith.muli %while3A_294, %mul3A_410 : i32
      %add3A_412 = arith.constant 7 : i32
      %add3A_413 = arith.addi %mul3A_411, %add3A_412 : i32
      %dma_start3A_414 = arith.constant 0 : i32
      %dma_start3A_415 = tpu.memref_slice %arg6[%add3A_409, %dma_start3A_414] : memref<160x128xf32, #tpu.memory_space<vmem>> -> memref<1x128xf32, #tpu.memory_space<vmem>>
      %dma_start3A_416 = tpu.memref_squeeze %dma_start3A_415 : memref<1x128xf32, #tpu.memory_space<vmem>> -> memref<128xf32, #tpu.memory_space<vmem>>
      %dma_start3A_417 = arith.constant 0 : i32
      %dma_start3A_418 = tpu.memref_slice %arg5[%add3A_413, %dma_start3A_417] : memref<160x128xi32, #tpu.memory_space<vmem>> -> memref<1x128xi32, #tpu.memory_space<vmem>>
      %dma_start3A_419 = tpu.memref_squeeze %dma_start3A_418 : memref<1x128xi32, #tpu.memory_space<vmem>> -> memref<128xi32, #tpu.memory_space<vmem>>
      %dma_start3A_420 = arith.constant 0 : i32
      %dma_start3A_421 = tpu.memref_slice %arg9[%dma_start3A_420] : memref<10240xf32, #tpu.memory_space<vmem_shared>> -> memref<10240xf32, #tpu.memory_space<vmem_shared>>
      tpu.enqueue_indirect_dma source(%dma_start3A_416 : memref<128xf32, #tpu.memory_space<vmem>>) target(%dma_start3A_421 : memref<10240xf32, #tpu.memory_space<vmem_shared>>) offsets(%dma_start3A_419 : memref<128xi32, #tpu.memory_space<vmem>>) semaphore(%arg11 : memref<!tpu.dma_semaphore, #tpu.memory_space<semaphore_mem>>) {add = true}
      %mul3A_422 = arith.constant 20 : i32
      %mul3A_423 = arith.muli %while3A_294, %mul3A_422 : i32
      %add3A_424 = arith.constant 8 : i32
      %add3A_425 = arith.addi %mul3A_423, %add3A_424 : i32
      %mul3A_426 = arith.constant 20 : i32
      %mul3A_427 = arith.muli %while3A_294, %mul3A_426 : i32
      %add3A_428 = arith.constant 8 : i32
      %add3A_429 = arith.addi %mul3A_427, %add3A_428 : i32
      %dma_start3A_430 = arith.constant 0 : i32
      %dma_start3A_431 = tpu.memref_slice %arg6[%add3A_425, %dma_start3A_430] : memref<160x128xf32, #tpu.memory_space<vmem>> -> memref<1x128xf32, #tpu.memory_space<vmem>>
      %dma_start3A_432 = tpu.memref_squeeze %dma_start3A_431 : memref<1x128xf32, #tpu.memory_space<vmem>> -> memref<128xf32, #tpu.memory_space<vmem>>
      %dma_start3A_433 = arith.constant 0 : i32
      %dma_start3A_434 = tpu.memref_slice %arg5[%add3A_429, %dma_start3A_433] : memref<160x128xi32, #tpu.memory_space<vmem>> -> memref<1x128xi32, #tpu.memory_space<vmem>>
      %dma_start3A_435 = tpu.memref_squeeze %dma_start3A_434 : memref<1x128xi32, #tpu.memory_space<vmem>> -> memref<128xi32, #tpu.memory_space<vmem>>
      %dma_start3A_436 = arith.constant 0 : i32
      %dma_start3A_437 = tpu.memref_slice %arg9[%dma_start3A_436] : memref<10240xf32, #tpu.memory_space<vmem_shared>> -> memref<10240xf32, #tpu.memory_space<vmem_shared>>
      tpu.enqueue_indirect_dma source(%dma_start3A_432 : memref<128xf32, #tpu.memory_space<vmem>>) target(%dma_start3A_437 : memref<10240xf32, #tpu.memory_space<vmem_shared>>) offsets(%dma_start3A_435 : memref<128xi32, #tpu.memory_space<vmem>>) semaphore(%arg11 : memref<!tpu.dma_semaphore, #tpu.memory_space<semaphore_mem>>) {add = true}
      %mul3A_438 = arith.constant 20 : i32
      %mul3A_439 = arith.muli %while3A_294, %mul3A_438 : i32
      %add3A_440 = arith.constant 9 : i32
      %add3A_441 = arith.addi %mul3A_439, %add3A_440 : i32
      %mul3A_442 = arith.constant 20 : i32
      %mul3A_443 = arith.muli %while3A_294, %mul3A_442 : i32
      %add3A_444 = arith.constant 9 : i32
      %add3A_445 = arith.addi %mul3A_443, %add3A_444 : i32
      %dma_start3A_446 = arith.constant 0 : i32
      %dma_start3A_447 = tpu.memref_slice %arg6[%add3A_441, %dma_start3A_446] : memref<160x128xf32, #tpu.memory_space<vmem>> -> memref<1x128xf32, #tpu.memory_space<vmem>>
      %dma_start3A_448 = tpu.memref_squeeze %dma_start3A_447 : memref<1x128xf32, #tpu.memory_space<vmem>> -> memref<128xf32, #tpu.memory_space<vmem>>
      %dma_start3A_449 = arith.constant 0 : i32
      %dma_start3A_450 = tpu.memref_slice %arg5[%add3A_445, %dma_start3A_449] : memref<160x128xi32, #tpu.memory_space<vmem>> -> memref<1x128xi32, #tpu.memory_space<vmem>>
      %dma_start3A_451 = tpu.memref_squeeze %dma_start3A_450 : memref<1x128xi32, #tpu.memory_space<vmem>> -> memref<128xi32, #tpu.memory_space<vmem>>
      %dma_start3A_452 = arith.constant 0 : i32
      %dma_start3A_453 = tpu.memref_slice %arg9[%dma_start3A_452] : memref<10240xf32, #tpu.memory_space<vmem_shared>> -> memref<10240xf32, #tpu.memory_space<vmem_shared>>
      tpu.enqueue_indirect_dma source(%dma_start3A_448 : memref<128xf32, #tpu.memory_space<vmem>>) target(%dma_start3A_453 : memref<10240xf32, #tpu.memory_space<vmem_shared>>) offsets(%dma_start3A_451 : memref<128xi32, #tpu.memory_space<vmem>>) semaphore(%arg11 : memref<!tpu.dma_semaphore, #tpu.memory_space<semaphore_mem>>) {add = true}
      %mul3A_454 = arith.constant 20 : i32
      %mul3A_455 = arith.muli %while3A_294, %mul3A_454 : i32
      %add3A_456 = arith.constant 10 : i32
      %add3A_457 = arith.addi %mul3A_455, %add3A_456 : i32
      %mul3A_458 = arith.constant 20 : i32
      %mul3A_459 = arith.muli %while3A_294, %mul3A_458 : i32
      %add3A_460 = arith.constant 10 : i32
      %add3A_461 = arith.addi %mul3A_459, %add3A_460 : i32
      %dma_start3A_462 = arith.constant 0 : i32
      %dma_start3A_463 = tpu.memref_slice %arg6[%add3A_457, %dma_start3A_462] : memref<160x128xf32, #tpu.memory_space<vmem>> -> memref<1x128xf32, #tpu.memory_space<vmem>>
      %dma_start3A_464 = tpu.memref_squeeze %dma_start3A_463 : memref<1x128xf32, #tpu.memory_space<vmem>> -> memref<128xf32, #tpu.memory_space<vmem>>
      %dma_start3A_465 = arith.constant 0 : i32
      %dma_start3A_466 = tpu.memref_slice %arg5[%add3A_461, %dma_start3A_465] : memref<160x128xi32, #tpu.memory_space<vmem>> -> memref<1x128xi32, #tpu.memory_space<vmem>>
      %dma_start3A_467 = tpu.memref_squeeze %dma_start3A_466 : memref<1x128xi32, #tpu.memory_space<vmem>> -> memref<128xi32, #tpu.memory_space<vmem>>
      %dma_start3A_468 = arith.constant 0 : i32
      %dma_start3A_469 = tpu.memref_slice %arg9[%dma_start3A_468] : memref<10240xf32, #tpu.memory_space<vmem_shared>> -> memref<10240xf32, #tpu.memory_space<vmem_shared>>
      tpu.enqueue_indirect_dma source(%dma_start3A_464 : memref<128xf32, #tpu.memory_space<vmem>>) target(%dma_start3A_469 : memref<10240xf32, #tpu.memory_space<vmem_shared>>) offsets(%dma_start3A_467 : memref<128xi32, #tpu.memory_space<vmem>>) semaphore(%arg11 : memref<!tpu.dma_semaphore, #tpu.memory_space<semaphore_mem>>) {add = true}
      %mul3A_470 = arith.constant 20 : i32
      %mul3A_471 = arith.muli %while3A_294, %mul3A_470 : i32
      %add3A_472 = arith.constant 11 : i32
      %add3A_473 = arith.addi %mul3A_471, %add3A_472 : i32
      %mul3A_474 = arith.constant 20 : i32
      %mul3A_475 = arith.muli %while3A_294, %mul3A_474 : i32
      %add3A_476 = arith.constant 11 : i32
      %add3A_477 = arith.addi %mul3A_475, %add3A_476 : i32
      %dma_start3A_478 = arith.constant 0 : i32
      %dma_start3A_479 = tpu.memref_slice %arg6[%add3A_473, %dma_start3A_478] : memref<160x128xf32, #tpu.memory_space<vmem>> -> memref<1x128xf32, #tpu.memory_space<vmem>>
      %dma_start3A_480 = tpu.memref_squeeze %dma_start3A_479 : memref<1x128xf32, #tpu.memory_space<vmem>> -> memref<128xf32, #tpu.memory_space<vmem>>
      %dma_start3A_481 = arith.constant 0 : i32
      %dma_start3A_482 = tpu.memref_slice %arg5[%add3A_477, %dma_start3A_481] : memref<160x128xi32, #tpu.memory_space<vmem>> -> memref<1x128xi32, #tpu.memory_space<vmem>>
      %dma_start3A_483 = tpu.memref_squeeze %dma_start3A_482 : memref<1x128xi32, #tpu.memory_space<vmem>> -> memref<128xi32, #tpu.memory_space<vmem>>
      %dma_start3A_484 = arith.constant 0 : i32
      %dma_start3A_485 = tpu.memref_slice %arg9[%dma_start3A_484] : memref<10240xf32, #tpu.memory_space<vmem_shared>> -> memref<10240xf32, #tpu.memory_space<vmem_shared>>
      tpu.enqueue_indirect_dma source(%dma_start3A_480 : memref<128xf32, #tpu.memory_space<vmem>>) target(%dma_start3A_485 : memref<10240xf32, #tpu.memory_space<vmem_shared>>) offsets(%dma_start3A_483 : memref<128xi32, #tpu.memory_space<vmem>>) semaphore(%arg11 : memref<!tpu.dma_semaphore, #tpu.memory_space<semaphore_mem>>) {add = true}
      %mul3A_486 = arith.constant 20 : i32
      %mul3A_487 = arith.muli %while3A_294, %mul3A_486 : i32
      %add3A_488 = arith.constant 12 : i32
      %add3A_489 = arith.addi %mul3A_487, %add3A_488 : i32
      %mul3A_490 = arith.constant 20 : i32
      %mul3A_491 = arith.muli %while3A_294, %mul3A_490 : i32
      %add3A_492 = arith.constant 12 : i32
      %add3A_493 = arith.addi %mul3A_491, %add3A_492 : i32
      %dma_start3A_494 = arith.constant 0 : i32
      %dma_start3A_495 = tpu.memref_slice %arg6[%add3A_489, %dma_start3A_494] : memref<160x128xf32, #tpu.memory_space<vmem>> -> memref<1x128xf32, #tpu.memory_space<vmem>>
      %dma_start3A_496 = tpu.memref_squeeze %dma_start3A_495 : memref<1x128xf32, #tpu.memory_space<vmem>> -> memref<128xf32, #tpu.memory_space<vmem>>
      %dma_start3A_497 = arith.constant 0 : i32
      %dma_start3A_498 = tpu.memref_slice %arg5[%add3A_493, %dma_start3A_497] : memref<160x128xi32, #tpu.memory_space<vmem>> -> memref<1x128xi32, #tpu.memory_space<vmem>>
      %dma_start3A_499 = tpu.memref_squeeze %dma_start3A_498 : memref<1x128xi32, #tpu.memory_space<vmem>> -> memref<128xi32, #tpu.memory_space<vmem>>
      %dma_start3A_500 = arith.constant 0 : i32
      %dma_start3A_501 = tpu.memref_slice %arg9[%dma_start3A_500] : memref<10240xf32, #tpu.memory_space<vmem_shared>> -> memref<10240xf32, #tpu.memory_space<vmem_shared>>
      tpu.enqueue_indirect_dma source(%dma_start3A_496 : memref<128xf32, #tpu.memory_space<vmem>>) target(%dma_start3A_501 : memref<10240xf32, #tpu.memory_space<vmem_shared>>) offsets(%dma_start3A_499 : memref<128xi32, #tpu.memory_space<vmem>>) semaphore(%arg11 : memref<!tpu.dma_semaphore, #tpu.memory_space<semaphore_mem>>) {add = true}
      %mul3A_502 = arith.constant 20 : i32
      %mul3A_503 = arith.muli %while3A_294, %mul3A_502 : i32
      %add3A_504 = arith.constant 13 : i32
      %add3A_505 = arith.addi %mul3A_503, %add3A_504 : i32
      %mul3A_506 = arith.constant 20 : i32
      %mul3A_507 = arith.muli %while3A_294, %mul3A_506 : i32
      %add3A_508 = arith.constant 13 : i32
      %add3A_509 = arith.addi %mul3A_507, %add3A_508 : i32
      %dma_start3A_510 = arith.constant 0 : i32
      %dma_start3A_511 = tpu.memref_slice %arg6[%add3A_505, %dma_start3A_510] : memref<160x128xf32, #tpu.memory_space<vmem>> -> memref<1x128xf32, #tpu.memory_space<vmem>>
      %dma_start3A_512 = tpu.memref_squeeze %dma_start3A_511 : memref<1x128xf32, #tpu.memory_space<vmem>> -> memref<128xf32, #tpu.memory_space<vmem>>
      %dma_start3A_513 = arith.constant 0 : i32
      %dma_start3A_514 = tpu.memref_slice %arg5[%add3A_509, %dma_start3A_513] : memref<160x128xi32, #tpu.memory_space<vmem>> -> memref<1x128xi32, #tpu.memory_space<vmem>>
      %dma_start3A_515 = tpu.memref_squeeze %dma_start3A_514 : memref<1x128xi32, #tpu.memory_space<vmem>> -> memref<128xi32, #tpu.memory_space<vmem>>
      %dma_start3A_516 = arith.constant 0 : i32
      %dma_start3A_517 = tpu.memref_slice %arg9[%dma_start3A_516] : memref<10240xf32, #tpu.memory_space<vmem_shared>> -> memref<10240xf32, #tpu.memory_space<vmem_shared>>
      tpu.enqueue_indirect_dma source(%dma_start3A_512 : memref<128xf32, #tpu.memory_space<vmem>>) target(%dma_start3A_517 : memref<10240xf32, #tpu.memory_space<vmem_shared>>) offsets(%dma_start3A_515 : memref<128xi32, #tpu.memory_space<vmem>>) semaphore(%arg11 : memref<!tpu.dma_semaphore, #tpu.memory_space<semaphore_mem>>) {add = true}
      %mul3A_518 = arith.constant 20 : i32
      %mul3A_519 = arith.muli %while3A_294, %mul3A_518 : i32
      %add3A_520 = arith.constant 14 : i32
      %add3A_521 = arith.addi %mul3A_519, %add3A_520 : i32
      %mul3A_522 = arith.constant 20 : i32
      %mul3A_523 = arith.muli %while3A_294, %mul3A_522 : i32
      %add3A_524 = arith.constant 14 : i32
      %add3A_525 = arith.addi %mul3A_523, %add3A_524 : i32
      %dma_start3A_526 = arith.constant 0 : i32
      %dma_start3A_527 = tpu.memref_slice %arg6[%add3A_521, %dma_start3A_526] : memref<160x128xf32, #tpu.memory_space<vmem>> -> memref<1x128xf32, #tpu.memory_space<vmem>>
      %dma_start3A_528 = tpu.memref_squeeze %dma_start3A_527 : memref<1x128xf32, #tpu.memory_space<vmem>> -> memref<128xf32, #tpu.memory_space<vmem>>
      %dma_start3A_529 = arith.constant 0 : i32
      %dma_start3A_530 = tpu.memref_slice %arg5[%add3A_525, %dma_start3A_529] : memref<160x128xi32, #tpu.memory_space<vmem>> -> memref<1x128xi32, #tpu.memory_space<vmem>>
      %dma_start3A_531 = tpu.memref_squeeze %dma_start3A_530 : memref<1x128xi32, #tpu.memory_space<vmem>> -> memref<128xi32, #tpu.memory_space<vmem>>
      %dma_start3A_532 = arith.constant 0 : i32
      %dma_start3A_533 = tpu.memref_slice %arg9[%dma_start3A_532] : memref<10240xf32, #tpu.memory_space<vmem_shared>> -> memref<10240xf32, #tpu.memory_space<vmem_shared>>
      tpu.enqueue_indirect_dma source(%dma_start3A_528 : memref<128xf32, #tpu.memory_space<vmem>>) target(%dma_start3A_533 : memref<10240xf32, #tpu.memory_space<vmem_shared>>) offsets(%dma_start3A_531 : memref<128xi32, #tpu.memory_space<vmem>>) semaphore(%arg11 : memref<!tpu.dma_semaphore, #tpu.memory_space<semaphore_mem>>) {add = true}
      %mul3A_534 = arith.constant 20 : i32
      %mul3A_535 = arith.muli %while3A_294, %mul3A_534 : i32
      %add3A_536 = arith.constant 15 : i32
      %add3A_537 = arith.addi %mul3A_535, %add3A_536 : i32
      %mul3A_538 = arith.constant 20 : i32
      %mul3A_539 = arith.muli %while3A_294, %mul3A_538 : i32
      %add3A_540 = arith.constant 15 : i32
      %add3A_541 = arith.addi %mul3A_539, %add3A_540 : i32
      %dma_start3A_542 = arith.constant 0 : i32
      %dma_start3A_543 = tpu.memref_slice %arg6[%add3A_537, %dma_start3A_542] : memref<160x128xf32, #tpu.memory_space<vmem>> -> memref<1x128xf32, #tpu.memory_space<vmem>>
      %dma_start3A_544 = tpu.memref_squeeze %dma_start3A_543 : memref<1x128xf32, #tpu.memory_space<vmem>> -> memref<128xf32, #tpu.memory_space<vmem>>
      %dma_start3A_545 = arith.constant 0 : i32
      %dma_start3A_546 = tpu.memref_slice %arg5[%add3A_541, %dma_start3A_545] : memref<160x128xi32, #tpu.memory_space<vmem>> -> memref<1x128xi32, #tpu.memory_space<vmem>>
      %dma_start3A_547 = tpu.memref_squeeze %dma_start3A_546 : memref<1x128xi32, #tpu.memory_space<vmem>> -> memref<128xi32, #tpu.memory_space<vmem>>
      %dma_start3A_548 = arith.constant 0 : i32
      %dma_start3A_549 = tpu.memref_slice %arg9[%dma_start3A_548] : memref<10240xf32, #tpu.memory_space<vmem_shared>> -> memref<10240xf32, #tpu.memory_space<vmem_shared>>
      tpu.enqueue_indirect_dma source(%dma_start3A_544 : memref<128xf32, #tpu.memory_space<vmem>>) target(%dma_start3A_549 : memref<10240xf32, #tpu.memory_space<vmem_shared>>) offsets(%dma_start3A_547 : memref<128xi32, #tpu.memory_space<vmem>>) semaphore(%arg11 : memref<!tpu.dma_semaphore, #tpu.memory_space<semaphore_mem>>) {add = true}
      %mul3A_550 = arith.constant 20 : i32
      %mul3A_551 = arith.muli %while3A_294, %mul3A_550 : i32
      %add3A_552 = arith.constant 16 : i32
      %add3A_553 = arith.addi %mul3A_551, %add3A_552 : i32
      %mul3A_554 = arith.constant 20 : i32
      %mul3A_555 = arith.muli %while3A_294, %mul3A_554 : i32
      %add3A_556 = arith.constant 16 : i32
      %add3A_557 = arith.addi %mul3A_555, %add3A_556 : i32
      %dma_start3A_558 = arith.constant 0 : i32
      %dma_start3A_559 = tpu.memref_slice %arg6[%add3A_553, %dma_start3A_558] : memref<160x128xf32, #tpu.memory_space<vmem>> -> memref<1x128xf32, #tpu.memory_space<vmem>>
      %dma_start3A_560 = tpu.memref_squeeze %dma_start3A_559 : memref<1x128xf32, #tpu.memory_space<vmem>> -> memref<128xf32, #tpu.memory_space<vmem>>
      %dma_start3A_561 = arith.constant 0 : i32
      %dma_start3A_562 = tpu.memref_slice %arg5[%add3A_557, %dma_start3A_561] : memref<160x128xi32, #tpu.memory_space<vmem>> -> memref<1x128xi32, #tpu.memory_space<vmem>>
      %dma_start3A_563 = tpu.memref_squeeze %dma_start3A_562 : memref<1x128xi32, #tpu.memory_space<vmem>> -> memref<128xi32, #tpu.memory_space<vmem>>
      %dma_start3A_564 = arith.constant 0 : i32
      %dma_start3A_565 = tpu.memref_slice %arg9[%dma_start3A_564] : memref<10240xf32, #tpu.memory_space<vmem_shared>> -> memref<10240xf32, #tpu.memory_space<vmem_shared>>
      tpu.enqueue_indirect_dma source(%dma_start3A_560 : memref<128xf32, #tpu.memory_space<vmem>>) target(%dma_start3A_565 : memref<10240xf32, #tpu.memory_space<vmem_shared>>) offsets(%dma_start3A_563 : memref<128xi32, #tpu.memory_space<vmem>>) semaphore(%arg11 : memref<!tpu.dma_semaphore, #tpu.memory_space<semaphore_mem>>) {add = true}
      %mul3A_566 = arith.constant 20 : i32
      %mul3A_567 = arith.muli %while3A_294, %mul3A_566 : i32
      %add3A_568 = arith.constant 17 : i32
      %add3A_569 = arith.addi %mul3A_567, %add3A_568 : i32
      %mul3A_570 = arith.constant 20 : i32
      %mul3A_571 = arith.muli %while3A_294, %mul3A_570 : i32
      %add3A_572 = arith.constant 17 : i32
      %add3A_573 = arith.addi %mul3A_571, %add3A_572 : i32
      %dma_start3A_574 = arith.constant 0 : i32
      %dma_start3A_575 = tpu.memref_slice %arg6[%add3A_569, %dma_start3A_574] : memref<160x128xf32, #tpu.memory_space<vmem>> -> memref<1x128xf32, #tpu.memory_space<vmem>>
      %dma_start3A_576 = tpu.memref_squeeze %dma_start3A_575 : memref<1x128xf32, #tpu.memory_space<vmem>> -> memref<128xf32, #tpu.memory_space<vmem>>
      %dma_start3A_577 = arith.constant 0 : i32
      %dma_start3A_578 = tpu.memref_slice %arg5[%add3A_573, %dma_start3A_577] : memref<160x128xi32, #tpu.memory_space<vmem>> -> memref<1x128xi32, #tpu.memory_space<vmem>>
      %dma_start3A_579 = tpu.memref_squeeze %dma_start3A_578 : memref<1x128xi32, #tpu.memory_space<vmem>> -> memref<128xi32, #tpu.memory_space<vmem>>
      %dma_start3A_580 = arith.constant 0 : i32
      %dma_start3A_581 = tpu.memref_slice %arg9[%dma_start3A_580] : memref<10240xf32, #tpu.memory_space<vmem_shared>> -> memref<10240xf32, #tpu.memory_space<vmem_shared>>
      tpu.enqueue_indirect_dma source(%dma_start3A_576 : memref<128xf32, #tpu.memory_space<vmem>>) target(%dma_start3A_581 : memref<10240xf32, #tpu.memory_space<vmem_shared>>) offsets(%dma_start3A_579 : memref<128xi32, #tpu.memory_space<vmem>>) semaphore(%arg11 : memref<!tpu.dma_semaphore, #tpu.memory_space<semaphore_mem>>) {add = true}
      %mul3A_582 = arith.constant 20 : i32
      %mul3A_583 = arith.muli %while3A_294, %mul3A_582 : i32
      %add3A_584 = arith.constant 18 : i32
      %add3A_585 = arith.addi %mul3A_583, %add3A_584 : i32
      %mul3A_586 = arith.constant 20 : i32
      %mul3A_587 = arith.muli %while3A_294, %mul3A_586 : i32
      %add3A_588 = arith.constant 18 : i32
      %add3A_589 = arith.addi %mul3A_587, %add3A_588 : i32
      %dma_start3A_590 = arith.constant 0 : i32
      %dma_start3A_591 = tpu.memref_slice %arg6[%add3A_585, %dma_start3A_590] : memref<160x128xf32, #tpu.memory_space<vmem>> -> memref<1x128xf32, #tpu.memory_space<vmem>>
      %dma_start3A_592 = tpu.memref_squeeze %dma_start3A_591 : memref<1x128xf32, #tpu.memory_space<vmem>> -> memref<128xf32, #tpu.memory_space<vmem>>
      %dma_start3A_593 = arith.constant 0 : i32
      %dma_start3A_594 = tpu.memref_slice %arg5[%add3A_589, %dma_start3A_593] : memref<160x128xi32, #tpu.memory_space<vmem>> -> memref<1x128xi32, #tpu.memory_space<vmem>>
      %dma_start3A_595 = tpu.memref_squeeze %dma_start3A_594 : memref<1x128xi32, #tpu.memory_space<vmem>> -> memref<128xi32, #tpu.memory_space<vmem>>
      %dma_start3A_596 = arith.constant 0 : i32
      %dma_start3A_597 = tpu.memref_slice %arg9[%dma_start3A_596] : memref<10240xf32, #tpu.memory_space<vmem_shared>> -> memref<10240xf32, #tpu.memory_space<vmem_shared>>
      tpu.enqueue_indirect_dma source(%dma_start3A_592 : memref<128xf32, #tpu.memory_space<vmem>>) target(%dma_start3A_597 : memref<10240xf32, #tpu.memory_space<vmem_shared>>) offsets(%dma_start3A_595 : memref<128xi32, #tpu.memory_space<vmem>>) semaphore(%arg11 : memref<!tpu.dma_semaphore, #tpu.memory_space<semaphore_mem>>) {add = true}
      %mul3A_598 = arith.constant 20 : i32
      %mul3A_599 = arith.muli %while3A_294, %mul3A_598 : i32
      %add3A_600 = arith.constant 19 : i32
      %add3A_601 = arith.addi %mul3A_599, %add3A_600 : i32
      %mul3A_602 = arith.constant 20 : i32
      %mul3A_603 = arith.muli %while3A_294, %mul3A_602 : i32
      %add3A_604 = arith.constant 19 : i32
      %add3A_605 = arith.addi %mul3A_603, %add3A_604 : i32
      %dma_start3A_606 = arith.constant 0 : i32
      %dma_start3A_607 = tpu.memref_slice %arg6[%add3A_601, %dma_start3A_606] : memref<160x128xf32, #tpu.memory_space<vmem>> -> memref<1x128xf32, #tpu.memory_space<vmem>>
      %dma_start3A_608 = tpu.memref_squeeze %dma_start3A_607 : memref<1x128xf32, #tpu.memory_space<vmem>> -> memref<128xf32, #tpu.memory_space<vmem>>
      %dma_start3A_609 = arith.constant 0 : i32
      %dma_start3A_610 = tpu.memref_slice %arg5[%add3A_605, %dma_start3A_609] : memref<160x128xi32, #tpu.memory_space<vmem>> -> memref<1x128xi32, #tpu.memory_space<vmem>>
      %dma_start3A_611 = tpu.memref_squeeze %dma_start3A_610 : memref<1x128xi32, #tpu.memory_space<vmem>> -> memref<128xi32, #tpu.memory_space<vmem>>
      %dma_start3A_612 = arith.constant 0 : i32
      %dma_start3A_613 = tpu.memref_slice %arg9[%dma_start3A_612] : memref<10240xf32, #tpu.memory_space<vmem_shared>> -> memref<10240xf32, #tpu.memory_space<vmem_shared>>
      tpu.enqueue_indirect_dma source(%dma_start3A_608 : memref<128xf32, #tpu.memory_space<vmem>>) target(%dma_start3A_613 : memref<10240xf32, #tpu.memory_space<vmem_shared>>) offsets(%dma_start3A_611 : memref<128xi32, #tpu.memory_space<vmem>>) semaphore(%arg11 : memref<!tpu.dma_semaphore, #tpu.memory_space<semaphore_mem>>) {add = true}
      %dma_wait3A_614 = arith.constant 0 : i32
      %dma_wait3A_615 = tpu.memref_slice %arg6[%add3A_297, %dma_wait3A_614] : memref<160x128xf32, #tpu.memory_space<vmem>> -> memref<1x128xf32, #tpu.memory_space<vmem>>
      %dma_wait3A_616 = tpu.memref_squeeze %dma_wait3A_615 : memref<1x128xf32, #tpu.memory_space<vmem>> -> memref<128xf32, #tpu.memory_space<vmem>>
      %dma_wait3A_617 = arith.constant 0 : i32
      %dma_wait3A_618 = tpu.memref_slice %arg5[%add3A_301, %dma_wait3A_617] : memref<160x128xi32, #tpu.memory_space<vmem>> -> memref<1x128xi32, #tpu.memory_space<vmem>>
      %dma_wait3A_619 = tpu.memref_squeeze %dma_wait3A_618 : memref<1x128xi32, #tpu.memory_space<vmem>> -> memref<128xi32, #tpu.memory_space<vmem>>
      %dma_wait3A_620 = arith.constant 0 : i32
      %dma_wait3A_621 = tpu.memref_slice %arg9[%dma_wait3A_620] : memref<10240xf32, #tpu.memory_space<vmem_shared>> -> memref<10240xf32, #tpu.memory_space<vmem_shared>>
      tpu.wait_indirect_dma semaphore(%arg11 : memref<!tpu.dma_semaphore, #tpu.memory_space<semaphore_mem>>) src(%dma_wait3A_616 : memref<128xf32, #tpu.memory_space<vmem>>) dst(%dma_wait3A_621 : memref<10240xf32, #tpu.memory_space<vmem_shared>>)
      %dma_wait3A_622 = arith.constant 0 : i32
      %dma_wait3A_623 = tpu.memref_slice %arg6[%add3A_313, %dma_wait3A_622] : memref<160x128xf32, #tpu.memory_space<vmem>> -> memref<1x128xf32, #tpu.memory_space<vmem>>
      %dma_wait3A_624 = tpu.memref_squeeze %dma_wait3A_623 : memref<1x128xf32, #tpu.memory_space<vmem>> -> memref<128xf32, #tpu.memory_space<vmem>>
      %dma_wait3A_625 = arith.constant 0 : i32
      %dma_wait3A_626 = tpu.memref_slice %arg5[%add3A_317, %dma_wait3A_625] : memref<160x128xi32, #tpu.memory_space<vmem>> -> memref<1x128xi32, #tpu.memory_space<vmem>>
      %dma_wait3A_627 = tpu.memref_squeeze %dma_wait3A_626 : memref<1x128xi32, #tpu.memory_space<vmem>> -> memref<128xi32, #tpu.memory_space<vmem>>
      %dma_wait3A_628 = arith.constant 0 : i32
      %dma_wait3A_629 = tpu.memref_slice %arg9[%dma_wait3A_628] : memref<10240xf32, #tpu.memory_space<vmem_shared>> -> memref<10240xf32, #tpu.memory_space<vmem_shared>>
      tpu.wait_indirect_dma semaphore(%arg11 : memref<!tpu.dma_semaphore, #tpu.memory_space<semaphore_mem>>) src(%dma_wait3A_624 : memref<128xf32, #tpu.memory_space<vmem>>) dst(%dma_wait3A_629 : memref<10240xf32, #tpu.memory_space<vmem_shared>>)
      %dma_wait3A_630 = arith.constant 0 : i32
      %dma_wait3A_631 = tpu.memref_slice %arg6[%add3A_329, %dma_wait3A_630] : memref<160x128xf32, #tpu.memory_space<vmem>> -> memref<1x128xf32, #tpu.memory_space<vmem>>
      %dma_wait3A_632 = tpu.memref_squeeze %dma_wait3A_631 : memref<1x128xf32, #tpu.memory_space<vmem>> -> memref<128xf32, #tpu.memory_space<vmem>>
      %dma_wait3A_633 = arith.constant 0 : i32
      %dma_wait3A_634 = tpu.memref_slice %arg5[%add3A_333, %dma_wait3A_633] : memref<160x128xi32, #tpu.memory_space<vmem>> -> memref<1x128xi32, #tpu.memory_space<vmem>>
      %dma_wait3A_635 = tpu.memref_squeeze %dma_wait3A_634 : memref<1x128xi32, #tpu.memory_space<vmem>> -> memref<128xi32, #tpu.memory_space<vmem>>
      %dma_wait3A_636 = arith.constant 0 : i32
      %dma_wait3A_637 = tpu.memref_slice %arg9[%dma_wait3A_636] : memref<10240xf32, #tpu.memory_space<vmem_shared>> -> memref<10240xf32, #tpu.memory_space<vmem_shared>>
      tpu.wait_indirect_dma semaphore(%arg11 : memref<!tpu.dma_semaphore, #tpu.memory_space<semaphore_mem>>) src(%dma_wait3A_632 : memref<128xf32, #tpu.memory_space<vmem>>) dst(%dma_wait3A_637 : memref<10240xf32, #tpu.memory_space<vmem_shared>>)
      %dma_wait3A_638 = arith.constant 0 : i32
      %dma_wait3A_639 = tpu.memref_slice %arg6[%add3A_345, %dma_wait3A_638] : memref<160x128xf32, #tpu.memory_space<vmem>> -> memref<1x128xf32, #tpu.memory_space<vmem>>
      %dma_wait3A_640 = tpu.memref_squeeze %dma_wait3A_639 : memref<1x128xf32, #tpu.memory_space<vmem>> -> memref<128xf32, #tpu.memory_space<vmem>>
      %dma_wait3A_641 = arith.constant 0 : i32
      %dma_wait3A_642 = tpu.memref_slice %arg5[%add3A_349, %dma_wait3A_641] : memref<160x128xi32, #tpu.memory_space<vmem>> -> memref<1x128xi32, #tpu.memory_space<vmem>>
      %dma_wait3A_643 = tpu.memref_squeeze %dma_wait3A_642 : memref<1x128xi32, #tpu.memory_space<vmem>> -> memref<128xi32, #tpu.memory_space<vmem>>
      %dma_wait3A_644 = arith.constant 0 : i32
      %dma_wait3A_645 = tpu.memref_slice %arg9[%dma_wait3A_644] : memref<10240xf32, #tpu.memory_space<vmem_shared>> -> memref<10240xf32, #tpu.memory_space<vmem_shared>>
      tpu.wait_indirect_dma semaphore(%arg11 : memref<!tpu.dma_semaphore, #tpu.memory_space<semaphore_mem>>) src(%dma_wait3A_640 : memref<128xf32, #tpu.memory_space<vmem>>) dst(%dma_wait3A_645 : memref<10240xf32, #tpu.memory_space<vmem_shared>>)
      %dma_wait3A_646 = arith.constant 0 : i32
      %dma_wait3A_647 = tpu.memref_slice %arg6[%add3A_361, %dma_wait3A_646] : memref<160x128xf32, #tpu.memory_space<vmem>> -> memref<1x128xf32, #tpu.memory_space<vmem>>
      %dma_wait3A_648 = tpu.memref_squeeze %dma_wait3A_647 : memref<1x128xf32, #tpu.memory_space<vmem>> -> memref<128xf32, #tpu.memory_space<vmem>>
      %dma_wait3A_649 = arith.constant 0 : i32
      %dma_wait3A_650 = tpu.memref_slice %arg5[%add3A_365, %dma_wait3A_649] : memref<160x128xi32, #tpu.memory_space<vmem>> -> memref<1x128xi32, #tpu.memory_space<vmem>>
      %dma_wait3A_651 = tpu.memref_squeeze %dma_wait3A_650 : memref<1x128xi32, #tpu.memory_space<vmem>> -> memref<128xi32, #tpu.memory_space<vmem>>
      %dma_wait3A_652 = arith.constant 0 : i32
      %dma_wait3A_653 = tpu.memref_slice %arg9[%dma_wait3A_652] : memref<10240xf32, #tpu.memory_space<vmem_shared>> -> memref<10240xf32, #tpu.memory_space<vmem_shared>>
      tpu.wait_indirect_dma semaphore(%arg11 : memref<!tpu.dma_semaphore, #tpu.memory_space<semaphore_mem>>) src(%dma_wait3A_648 : memref<128xf32, #tpu.memory_space<vmem>>) dst(%dma_wait3A_653 : memref<10240xf32, #tpu.memory_space<vmem_shared>>)
      %dma_wait3A_654 = arith.constant 0 : i32
      %dma_wait3A_655 = tpu.memref_slice %arg6[%add3A_377, %dma_wait3A_654] : memref<160x128xf32, #tpu.memory_space<vmem>> -> memref<1x128xf32, #tpu.memory_space<vmem>>
      %dma_wait3A_656 = tpu.memref_squeeze %dma_wait3A_655 : memref<1x128xf32, #tpu.memory_space<vmem>> -> memref<128xf32, #tpu.memory_space<vmem>>
      %dma_wait3A_657 = arith.constant 0 : i32
      %dma_wait3A_658 = tpu.memref_slice %arg5[%add3A_381, %dma_wait3A_657] : memref<160x128xi32, #tpu.memory_space<vmem>> -> memref<1x128xi32, #tpu.memory_space<vmem>>
      %dma_wait3A_659 = tpu.memref_squeeze %dma_wait3A_658 : memref<1x128xi32, #tpu.memory_space<vmem>> -> memref<128xi32, #tpu.memory_space<vmem>>
      %dma_wait3A_660 = arith.constant 0 : i32
      %dma_wait3A_661 = tpu.memref_slice %arg9[%dma_wait3A_660] : memref<10240xf32, #tpu.memory_space<vmem_shared>> -> memref<10240xf32, #tpu.memory_space<vmem_shared>>
      tpu.wait_indirect_dma semaphore(%arg11 : memref<!tpu.dma_semaphore, #tpu.memory_space<semaphore_mem>>) src(%dma_wait3A_656 : memref<128xf32, #tpu.memory_space<vmem>>) dst(%dma_wait3A_661 : memref<10240xf32, #tpu.memory_space<vmem_shared>>)
      %dma_wait3A_662 = arith.constant 0 : i32
      %dma_wait3A_663 = tpu.memref_slice %arg6[%add3A_393, %dma_wait3A_662] : memref<160x128xf32, #tpu.memory_space<vmem>> -> memref<1x128xf32, #tpu.memory_space<vmem>>
      %dma_wait3A_664 = tpu.memref_squeeze %dma_wait3A_663 : memref<1x128xf32, #tpu.memory_space<vmem>> -> memref<128xf32, #tpu.memory_space<vmem>>
      %dma_wait3A_665 = arith.constant 0 : i32
      %dma_wait3A_666 = tpu.memref_slice %arg5[%add3A_397, %dma_wait3A_665] : memref<160x128xi32, #tpu.memory_space<vmem>> -> memref<1x128xi32, #tpu.memory_space<vmem>>
      %dma_wait3A_667 = tpu.memref_squeeze %dma_wait3A_666 : memref<1x128xi32, #tpu.memory_space<vmem>> -> memref<128xi32, #tpu.memory_space<vmem>>
      %dma_wait3A_668 = arith.constant 0 : i32
      %dma_wait3A_669 = tpu.memref_slice %arg9[%dma_wait3A_668] : memref<10240xf32, #tpu.memory_space<vmem_shared>> -> memref<10240xf32, #tpu.memory_space<vmem_shared>>
      tpu.wait_indirect_dma semaphore(%arg11 : memref<!tpu.dma_semaphore, #tpu.memory_space<semaphore_mem>>) src(%dma_wait3A_664 : memref<128xf32, #tpu.memory_space<vmem>>) dst(%dma_wait3A_669 : memref<10240xf32, #tpu.memory_space<vmem_shared>>)
      %dma_wait3A_670 = arith.constant 0 : i32
      %dma_wait3A_671 = tpu.memref_slice %arg6[%add3A_409, %dma_wait3A_670] : memref<160x128xf32, #tpu.memory_space<vmem>> -> memref<1x128xf32, #tpu.memory_space<vmem>>
      %dma_wait3A_672 = tpu.memref_squeeze %dma_wait3A_671 : memref<1x128xf32, #tpu.memory_space<vmem>> -> memref<128xf32, #tpu.memory_space<vmem>>
      %dma_wait3A_673 = arith.constant 0 : i32
      %dma_wait3A_674 = tpu.memref_slice %arg5[%add3A_413, %dma_wait3A_673] : memref<160x128xi32, #tpu.memory_space<vmem>> -> memref<1x128xi32, #tpu.memory_space<vmem>>
      %dma_wait3A_675 = tpu.memref_squeeze %dma_wait3A_674 : memref<1x128xi32, #tpu.memory_space<vmem>> -> memref<128xi32, #tpu.memory_space<vmem>>
      %dma_wait3A_676 = arith.constant 0 : i32
      %dma_wait3A_677 = tpu.memref_slice %arg9[%dma_wait3A_676] : memref<10240xf32, #tpu.memory_space<vmem_shared>> -> memref<10240xf32, #tpu.memory_space<vmem_shared>>
      tpu.wait_indirect_dma semaphore(%arg11 : memref<!tpu.dma_semaphore, #tpu.memory_space<semaphore_mem>>) src(%dma_wait3A_672 : memref<128xf32, #tpu.memory_space<vmem>>) dst(%dma_wait3A_677 : memref<10240xf32, #tpu.memory_space<vmem_shared>>)
      %dma_wait3A_678 = arith.constant 0 : i32
      %dma_wait3A_679 = tpu.memref_slice %arg6[%add3A_425, %dma_wait3A_678] : memref<160x128xf32, #tpu.memory_space<vmem>> -> memref<1x128xf32, #tpu.memory_space<vmem>>
      %dma_wait3A_680 = tpu.memref_squeeze %dma_wait3A_679 : memref<1x128xf32, #tpu.memory_space<vmem>> -> memref<128xf32, #tpu.memory_space<vmem>>
      %dma_wait3A_681 = arith.constant 0 : i32
      %dma_wait3A_682 = tpu.memref_slice %arg5[%add3A_429, %dma_wait3A_681] : memref<160x128xi32, #tpu.memory_space<vmem>> -> memref<1x128xi32, #tpu.memory_space<vmem>>
      %dma_wait3A_683 = tpu.memref_squeeze %dma_wait3A_682 : memref<1x128xi32, #tpu.memory_space<vmem>> -> memref<128xi32, #tpu.memory_space<vmem>>
      %dma_wait3A_684 = arith.constant 0 : i32
      %dma_wait3A_685 = tpu.memref_slice %arg9[%dma_wait3A_684] : memref<10240xf32, #tpu.memory_space<vmem_shared>> -> memref<10240xf32, #tpu.memory_space<vmem_shared>>
      tpu.wait_indirect_dma semaphore(%arg11 : memref<!tpu.dma_semaphore, #tpu.memory_space<semaphore_mem>>) src(%dma_wait3A_680 : memref<128xf32, #tpu.memory_space<vmem>>) dst(%dma_wait3A_685 : memref<10240xf32, #tpu.memory_space<vmem_shared>>)
      %dma_wait3A_686 = arith.constant 0 : i32
      %dma_wait3A_687 = tpu.memref_slice %arg6[%add3A_441, %dma_wait3A_686] : memref<160x128xf32, #tpu.memory_space<vmem>> -> memref<1x128xf32, #tpu.memory_space<vmem>>
      %dma_wait3A_688 = tpu.memref_squeeze %dma_wait3A_687 : memref<1x128xf32, #tpu.memory_space<vmem>> -> memref<128xf32, #tpu.memory_space<vmem>>
      %dma_wait3A_689 = arith.constant 0 : i32
      %dma_wait3A_690 = tpu.memref_slice %arg5[%add3A_445, %dma_wait3A_689] : memref<160x128xi32, #tpu.memory_space<vmem>> -> memref<1x128xi32, #tpu.memory_space<vmem>>
      %dma_wait3A_691 = tpu.memref_squeeze %dma_wait3A_690 : memref<1x128xi32, #tpu.memory_space<vmem>> -> memref<128xi32, #tpu.memory_space<vmem>>
      %dma_wait3A_692 = arith.constant 0 : i32
      %dma_wait3A_693 = tpu.memref_slice %arg9[%dma_wait3A_692] : memref<10240xf32, #tpu.memory_space<vmem_shared>> -> memref<10240xf32, #tpu.memory_space<vmem_shared>>
      tpu.wait_indirect_dma semaphore(%arg11 : memref<!tpu.dma_semaphore, #tpu.memory_space<semaphore_mem>>) src(%dma_wait3A_688 : memref<128xf32, #tpu.memory_space<vmem>>) dst(%dma_wait3A_693 : memref<10240xf32, #tpu.memory_space<vmem_shared>>)
      %dma_wait3A_694 = arith.constant 0 : i32
      %dma_wait3A_695 = tpu.memref_slice %arg6[%add3A_457, %dma_wait3A_694] : memref<160x128xf32, #tpu.memory_space<vmem>> -> memref<1x128xf32, #tpu.memory_space<vmem>>
      %dma_wait3A_696 = tpu.memref_squeeze %dma_wait3A_695 : memref<1x128xf32, #tpu.memory_space<vmem>> -> memref<128xf32, #tpu.memory_space<vmem>>
      %dma_wait3A_697 = arith.constant 0 : i32
      %dma_wait3A_698 = tpu.memref_slice %arg5[%add3A_461, %dma_wait3A_697] : memref<160x128xi32, #tpu.memory_space<vmem>> -> memref<1x128xi32, #tpu.memory_space<vmem>>
      %dma_wait3A_699 = tpu.memref_squeeze %dma_wait3A_698 : memref<1x128xi32, #tpu.memory_space<vmem>> -> memref<128xi32, #tpu.memory_space<vmem>>
      %dma_wait3A_700 = arith.constant 0 : i32
      %dma_wait3A_701 = tpu.memref_slice %arg9[%dma_wait3A_700] : memref<10240xf32, #tpu.memory_space<vmem_shared>> -> memref<10240xf32, #tpu.memory_space<vmem_shared>>
      tpu.wait_indirect_dma semaphore(%arg11 : memref<!tpu.dma_semaphore, #tpu.memory_space<semaphore_mem>>) src(%dma_wait3A_696 : memref<128xf32, #tpu.memory_space<vmem>>) dst(%dma_wait3A_701 : memref<10240xf32, #tpu.memory_space<vmem_shared>>)
      %dma_wait3A_702 = arith.constant 0 : i32
      %dma_wait3A_703 = tpu.memref_slice %arg6[%add3A_473, %dma_wait3A_702] : memref<160x128xf32, #tpu.memory_space<vmem>> -> memref<1x128xf32, #tpu.memory_space<vmem>>
      %dma_wait3A_704 = tpu.memref_squeeze %dma_wait3A_703 : memref<1x128xf32, #tpu.memory_space<vmem>> -> memref<128xf32, #tpu.memory_space<vmem>>
      %dma_wait3A_705 = arith.constant 0 : i32
      %dma_wait3A_706 = tpu.memref_slice %arg5[%add3A_477, %dma_wait3A_705] : memref<160x128xi32, #tpu.memory_space<vmem>> -> memref<1x128xi32, #tpu.memory_space<vmem>>
      %dma_wait3A_707 = tpu.memref_squeeze %dma_wait3A_706 : memref<1x128xi32, #tpu.memory_space<vmem>> -> memref<128xi32, #tpu.memory_space<vmem>>
      %dma_wait3A_708 = arith.constant 0 : i32
      %dma_wait3A_709 = tpu.memref_slice %arg9[%dma_wait3A_708] : memref<10240xf32, #tpu.memory_space<vmem_shared>> -> memref<10240xf32, #tpu.memory_space<vmem_shared>>
      tpu.wait_indirect_dma semaphore(%arg11 : memref<!tpu.dma_semaphore, #tpu.memory_space<semaphore_mem>>) src(%dma_wait3A_704 : memref<128xf32, #tpu.memory_space<vmem>>) dst(%dma_wait3A_709 : memref<10240xf32, #tpu.memory_space<vmem_shared>>)
      %dma_wait3A_710 = arith.constant 0 : i32
      %dma_wait3A_711 = tpu.memref_slice %arg6[%add3A_489, %dma_wait3A_710] : memref<160x128xf32, #tpu.memory_space<vmem>> -> memref<1x128xf32, #tpu.memory_space<vmem>>
      %dma_wait3A_712 = tpu.memref_squeeze %dma_wait3A_711 : memref<1x128xf32, #tpu.memory_space<vmem>> -> memref<128xf32, #tpu.memory_space<vmem>>
      %dma_wait3A_713 = arith.constant 0 : i32
      %dma_wait3A_714 = tpu.memref_slice %arg5[%add3A_493, %dma_wait3A_713] : memref<160x128xi32, #tpu.memory_space<vmem>> -> memref<1x128xi32, #tpu.memory_space<vmem>>
      %dma_wait3A_715 = tpu.memref_squeeze %dma_wait3A_714 : memref<1x128xi32, #tpu.memory_space<vmem>> -> memref<128xi32, #tpu.memory_space<vmem>>
      %dma_wait3A_716 = arith.constant 0 : i32
      %dma_wait3A_717 = tpu.memref_slice %arg9[%dma_wait3A_716] : memref<10240xf32, #tpu.memory_space<vmem_shared>> -> memref<10240xf32, #tpu.memory_space<vmem_shared>>
      tpu.wait_indirect_dma semaphore(%arg11 : memref<!tpu.dma_semaphore, #tpu.memory_space<semaphore_mem>>) src(%dma_wait3A_712 : memref<128xf32, #tpu.memory_space<vmem>>) dst(%dma_wait3A_717 : memref<10240xf32, #tpu.memory_space<vmem_shared>>)
      %dma_wait3A_718 = arith.constant 0 : i32
      %dma_wait3A_719 = tpu.memref_slice %arg6[%add3A_505, %dma_wait3A_718] : memref<160x128xf32, #tpu.memory_space<vmem>> -> memref<1x128xf32, #tpu.memory_space<vmem>>
      %dma_wait3A_720 = tpu.memref_squeeze %dma_wait3A_719 : memref<1x128xf32, #tpu.memory_space<vmem>> -> memref<128xf32, #tpu.memory_space<vmem>>
      %dma_wait3A_721 = arith.constant 0 : i32
      %dma_wait3A_722 = tpu.memref_slice %arg5[%add3A_509, %dma_wait3A_721] : memref<160x128xi32, #tpu.memory_space<vmem>> -> memref<1x128xi32, #tpu.memory_space<vmem>>
      %dma_wait3A_723 = tpu.memref_squeeze %dma_wait3A_722 : memref<1x128xi32, #tpu.memory_space<vmem>> -> memref<128xi32, #tpu.memory_space<vmem>>
      %dma_wait3A_724 = arith.constant 0 : i32
      %dma_wait3A_725 = tpu.memref_slice %arg9[%dma_wait3A_724] : memref<10240xf32, #tpu.memory_space<vmem_shared>> -> memref<10240xf32, #tpu.memory_space<vmem_shared>>
      tpu.wait_indirect_dma semaphore(%arg11 : memref<!tpu.dma_semaphore, #tpu.memory_space<semaphore_mem>>) src(%dma_wait3A_720 : memref<128xf32, #tpu.memory_space<vmem>>) dst(%dma_wait3A_725 : memref<10240xf32, #tpu.memory_space<vmem_shared>>)
      %dma_wait3A_726 = arith.constant 0 : i32
      %dma_wait3A_727 = tpu.memref_slice %arg6[%add3A_521, %dma_wait3A_726] : memref<160x128xf32, #tpu.memory_space<vmem>> -> memref<1x128xf32, #tpu.memory_space<vmem>>
      %dma_wait3A_728 = tpu.memref_squeeze %dma_wait3A_727 : memref<1x128xf32, #tpu.memory_space<vmem>> -> memref<128xf32, #tpu.memory_space<vmem>>
      %dma_wait3A_729 = arith.constant 0 : i32
      %dma_wait3A_730 = tpu.memref_slice %arg5[%add3A_525, %dma_wait3A_729] : memref<160x128xi32, #tpu.memory_space<vmem>> -> memref<1x128xi32, #tpu.memory_space<vmem>>
      %dma_wait3A_731 = tpu.memref_squeeze %dma_wait3A_730 : memref<1x128xi32, #tpu.memory_space<vmem>> -> memref<128xi32, #tpu.memory_space<vmem>>
      %dma_wait3A_732 = arith.constant 0 : i32
      %dma_wait3A_733 = tpu.memref_slice %arg9[%dma_wait3A_732] : memref<10240xf32, #tpu.memory_space<vmem_shared>> -> memref<10240xf32, #tpu.memory_space<vmem_shared>>
      tpu.wait_indirect_dma semaphore(%arg11 : memref<!tpu.dma_semaphore, #tpu.memory_space<semaphore_mem>>) src(%dma_wait3A_728 : memref<128xf32, #tpu.memory_space<vmem>>) dst(%dma_wait3A_733 : memref<10240xf32, #tpu.memory_space<vmem_shared>>)
      %dma_wait3A_734 = arith.constant 0 : i32
      %dma_wait3A_735 = tpu.memref_slice %arg6[%add3A_537, %dma_wait3A_734] : memref<160x128xf32, #tpu.memory_space<vmem>> -> memref<1x128xf32, #tpu.memory_space<vmem>>
      %dma_wait3A_736 = tpu.memref_squeeze %dma_wait3A_735 : memref<1x128xf32, #tpu.memory_space<vmem>> -> memref<128xf32, #tpu.memory_space<vmem>>
      %dma_wait3A_737 = arith.constant 0 : i32
      %dma_wait3A_738 = tpu.memref_slice %arg5[%add3A_541, %dma_wait3A_737] : memref<160x128xi32, #tpu.memory_space<vmem>> -> memref<1x128xi32, #tpu.memory_space<vmem>>
      %dma_wait3A_739 = tpu.memref_squeeze %dma_wait3A_738 : memref<1x128xi32, #tpu.memory_space<vmem>> -> memref<128xi32, #tpu.memory_space<vmem>>
      %dma_wait3A_740 = arith.constant 0 : i32
      %dma_wait3A_741 = tpu.memref_slice %arg9[%dma_wait3A_740] : memref<10240xf32, #tpu.memory_space<vmem_shared>> -> memref<10240xf32, #tpu.memory_space<vmem_shared>>
      tpu.wait_indirect_dma semaphore(%arg11 : memref<!tpu.dma_semaphore, #tpu.memory_space<semaphore_mem>>) src(%dma_wait3A_736 : memref<128xf32, #tpu.memory_space<vmem>>) dst(%dma_wait3A_741 : memref<10240xf32, #tpu.memory_space<vmem_shared>>)
      %dma_wait3A_742 = arith.constant 0 : i32
      %dma_wait3A_743 = tpu.memref_slice %arg6[%add3A_553, %dma_wait3A_742] : memref<160x128xf32, #tpu.memory_space<vmem>> -> memref<1x128xf32, #tpu.memory_space<vmem>>
      %dma_wait3A_744 = tpu.memref_squeeze %dma_wait3A_743 : memref<1x128xf32, #tpu.memory_space<vmem>> -> memref<128xf32, #tpu.memory_space<vmem>>
      %dma_wait3A_745 = arith.constant 0 : i32
      %dma_wait3A_746 = tpu.memref_slice %arg5[%add3A_557, %dma_wait3A_745] : memref<160x128xi32, #tpu.memory_space<vmem>> -> memref<1x128xi32, #tpu.memory_space<vmem>>
      %dma_wait3A_747 = tpu.memref_squeeze %dma_wait3A_746 : memref<1x128xi32, #tpu.memory_space<vmem>> -> memref<128xi32, #tpu.memory_space<vmem>>
      %dma_wait3A_748 = arith.constant 0 : i32
      %dma_wait3A_749 = tpu.memref_slice %arg9[%dma_wait3A_748] : memref<10240xf32, #tpu.memory_space<vmem_shared>> -> memref<10240xf32, #tpu.memory_space<vmem_shared>>
      tpu.wait_indirect_dma semaphore(%arg11 : memref<!tpu.dma_semaphore, #tpu.memory_space<semaphore_mem>>) src(%dma_wait3A_744 : memref<128xf32, #tpu.memory_space<vmem>>) dst(%dma_wait3A_749 : memref<10240xf32, #tpu.memory_space<vmem_shared>>)
      %dma_wait3A_750 = arith.constant 0 : i32
      %dma_wait3A_751 = tpu.memref_slice %arg6[%add3A_569, %dma_wait3A_750] : memref<160x128xf32, #tpu.memory_space<vmem>> -> memref<1x128xf32, #tpu.memory_space<vmem>>
      %dma_wait3A_752 = tpu.memref_squeeze %dma_wait3A_751 : memref<1x128xf32, #tpu.memory_space<vmem>> -> memref<128xf32, #tpu.memory_space<vmem>>
      %dma_wait3A_753 = arith.constant 0 : i32
      %dma_wait3A_754 = tpu.memref_slice %arg5[%add3A_573, %dma_wait3A_753] : memref<160x128xi32, #tpu.memory_space<vmem>> -> memref<1x128xi32, #tpu.memory_space<vmem>>
      %dma_wait3A_755 = tpu.memref_squeeze %dma_wait3A_754 : memref<1x128xi32, #tpu.memory_space<vmem>> -> memref<128xi32, #tpu.memory_space<vmem>>
      %dma_wait3A_756 = arith.constant 0 : i32
      %dma_wait3A_757 = tpu.memref_slice %arg9[%dma_wait3A_756] : memref<10240xf32, #tpu.memory_space<vmem_shared>> -> memref<10240xf32, #tpu.memory_space<vmem_shared>>
      tpu.wait_indirect_dma semaphore(%arg11 : memref<!tpu.dma_semaphore, #tpu.memory_space<semaphore_mem>>) src(%dma_wait3A_752 : memref<128xf32, #tpu.memory_space<vmem>>) dst(%dma_wait3A_757 : memref<10240xf32, #tpu.memory_space<vmem_shared>>)
      %dma_wait3A_758 = arith.constant 0 : i32
      %dma_wait3A_759 = tpu.memref_slice %arg6[%add3A_585, %dma_wait3A_758] : memref<160x128xf32, #tpu.memory_space<vmem>> -> memref<1x128xf32, #tpu.memory_space<vmem>>
      %dma_wait3A_760 = tpu.memref_squeeze %dma_wait3A_759 : memref<1x128xf32, #tpu.memory_space<vmem>> -> memref<128xf32, #tpu.memory_space<vmem>>
      %dma_wait3A_761 = arith.constant 0 : i32
      %dma_wait3A_762 = tpu.memref_slice %arg5[%add3A_589, %dma_wait3A_761] : memref<160x128xi32, #tpu.memory_space<vmem>> -> memref<1x128xi32, #tpu.memory_space<vmem>>
      %dma_wait3A_763 = tpu.memref_squeeze %dma_wait3A_762 : memref<1x128xi32, #tpu.memory_space<vmem>> -> memref<128xi32, #tpu.memory_space<vmem>>
      %dma_wait3A_764 = arith.constant 0 : i32
      %dma_wait3A_765 = tpu.memref_slice %arg9[%dma_wait3A_764] : memref<10240xf32, #tpu.memory_space<vmem_shared>> -> memref<10240xf32, #tpu.memory_space<vmem_shared>>
      tpu.wait_indirect_dma semaphore(%arg11 : memref<!tpu.dma_semaphore, #tpu.memory_space<semaphore_mem>>) src(%dma_wait3A_760 : memref<128xf32, #tpu.memory_space<vmem>>) dst(%dma_wait3A_765 : memref<10240xf32, #tpu.memory_space<vmem_shared>>)
      %dma_wait3A_766 = arith.constant 0 : i32
      %dma_wait3A_767 = tpu.memref_slice %arg6[%add3A_601, %dma_wait3A_766] : memref<160x128xf32, #tpu.memory_space<vmem>> -> memref<1x128xf32, #tpu.memory_space<vmem>>
      %dma_wait3A_768 = tpu.memref_squeeze %dma_wait3A_767 : memref<1x128xf32, #tpu.memory_space<vmem>> -> memref<128xf32, #tpu.memory_space<vmem>>
      %dma_wait3A_769 = arith.constant 0 : i32
      %dma_wait3A_770 = tpu.memref_slice %arg5[%add3A_605, %dma_wait3A_769] : memref<160x128xi32, #tpu.memory_space<vmem>> -> memref<1x128xi32, #tpu.memory_space<vmem>>
      %dma_wait3A_771 = tpu.memref_squeeze %dma_wait3A_770 : memref<1x128xi32, #tpu.memory_space<vmem>> -> memref<128xi32, #tpu.memory_space<vmem>>
      %dma_wait3A_772 = arith.constant 0 : i32
      %dma_wait3A_773 = tpu.memref_slice %arg9[%dma_wait3A_772] : memref<10240xf32, #tpu.memory_space<vmem_shared>> -> memref<10240xf32, #tpu.memory_space<vmem_shared>>
      tpu.wait_indirect_dma semaphore(%arg11 : memref<!tpu.dma_semaphore, #tpu.memory_space<semaphore_mem>>) src(%dma_wait3A_768 : memref<128xf32, #tpu.memory_space<vmem>>) dst(%dma_wait3A_773 : memref<10240xf32, #tpu.memory_space<vmem_shared>>)
    }
    %barrier3A_287 = arith.constant 0 : index
    tpu.barrier barrier_id(%barrier3A_287)
    %lt3A = arith.constant 15 : i32
    %lt3A_288 = arith.cmpi slt, %arg1, %lt3A : i32
    %convert_element_type3A = arith.extui %lt3A_288 : i1 to i32
    %cond3A = arith.constant 0 : i32
    %cond3A_289 = arith.cmpi ne, %convert_element_type3A, %cond3A : i32
    scf.if %cond3A_289 {
      %mul3A_294 = arith.constant 640 : i32
      %mul3A_295 = arith.muli %arg1, %mul3A_294 : i32
      "tpu.region"() ({
        %run_scoped3A = tpu.sem_alloc : memref<!tpu.dma_semaphore, #tpu.memory_space<semaphore_mem>>
        %dma_start3A_298 = tpu.memref_slice %arg9[%mul3A_295] : memref<10240xf32, #tpu.memory_space<vmem_shared>> -> memref<640xf32, #tpu.memory_space<vmem_shared>>
        %dma_start3A_299 = tpu.memref_slice %arg9[%mul3A_295] : memref<10240xf32, #tpu.memory_space<vmem_shared>> -> memref<640xf32, #tpu.memory_space<vmem_shared>>
        tpu.enqueue_dma source(%dma_start3A_299 : memref<640xf32, #tpu.memory_space<vmem_shared>>) target(%arg8 : memref<640xf32, #tpu.memory_space<vmem>>) target_semaphore(%run_scoped3A : memref<!tpu.dma_semaphore, #tpu.memory_space<semaphore_mem>>)
        %dma_wait3A_300 = tpu.memref_slice %arg9[%mul3A_295] : memref<10240xf32, #tpu.memory_space<vmem_shared>> -> memref<640xf32, #tpu.memory_space<vmem_shared>>
        %dma_wait3A_301 = tpu.memref_slice %arg9[%mul3A_295] : memref<10240xf32, #tpu.memory_space<vmem_shared>> -> memref<640xf32, #tpu.memory_space<vmem_shared>>
        tpu.wait_dma2 semaphore(%run_scoped3A : memref<!tpu.dma_semaphore, #tpu.memory_space<semaphore_mem>>) src(%dma_wait3A_301 : memref<640xf32, #tpu.memory_space<vmem_shared>>) dst(%arg8 : memref<640xf32, #tpu.memory_space<vmem>>)
        tpu.yield
      }) : () -> ()
      %mul3A_296 = arith.constant 640 : i32
      %mul3A_297 = arith.muli %arg1, %mul3A_296 : i32
      "tpu.region"() ({
        %run_scoped3A = tpu.sem_alloc : memref<!tpu.dma_semaphore, #tpu.memory_space<semaphore_mem>>
        %dma_start3A_298 = tpu.memref_slice %arg4[%mul3A_297] : memref<10000xf32, #tpu.memory_space<hbm>> -> memref<640xf32, #tpu.memory_space<hbm>>
        %dma_start3A_299 = tpu.memref_slice %arg4[%mul3A_297] : memref<10000xf32, #tpu.memory_space<hbm>> -> memref<640xf32, #tpu.memory_space<hbm>>
        tpu.enqueue_dma source(%arg8 : memref<640xf32, #tpu.memory_space<vmem>>) target(%dma_start3A_299 : memref<640xf32, #tpu.memory_space<hbm>>) target_semaphore(%run_scoped3A : memref<!tpu.dma_semaphore, #tpu.memory_space<semaphore_mem>>)
        %dma_wait3A_300 = tpu.memref_slice %arg4[%mul3A_297] : memref<10000xf32, #tpu.memory_space<hbm>> -> memref<640xf32, #tpu.memory_space<hbm>>
        %dma_wait3A_301 = tpu.memref_slice %arg4[%mul3A_297] : memref<10000xf32, #tpu.memory_space<hbm>> -> memref<640xf32, #tpu.memory_space<hbm>>
        tpu.wait_dma2 semaphore(%run_scoped3A : memref<!tpu.dma_semaphore, #tpu.memory_space<semaphore_mem>>) src(%arg8 : memref<640xf32, #tpu.memory_space<vmem>>) dst(%dma_wait3A_301 : memref<640xf32, #tpu.memory_space<hbm>>)
        tpu.yield
      }) : () -> ()
    } else {
    }
    %eq3A = arith.constant 15 : i32
    %eq3A_290 = arith.cmpi eq, %arg1, %eq3A : i32
    %convert_element_type3A_291 = arith.extui %eq3A_290 : i1 to i32
    %cond3A_292 = arith.constant 0 : i32
    %cond3A_293 = arith.cmpi ne, %convert_element_type3A_291, %cond3A_292 : i32
    scf.if %cond3A_293 {
      "tpu.region"() ({
        %run_scoped3A = tpu.sem_alloc : memref<!tpu.dma_semaphore, #tpu.memory_space<semaphore_mem>>
        %dma_start3A_294 = arith.constant 0 : i32
        %dma_start3A_295 = tpu.memref_slice %arg8[%dma_start3A_294] : memref<640xf32, #tpu.memory_space<vmem>> -> memref<400xf32, #tpu.memory_space<vmem>>
        %dma_start3A_296 = arith.constant 9600 : i32
        %dma_start3A_297 = tpu.memref_slice %arg9[%dma_start3A_296] : memref<10240xf32, #tpu.memory_space<vmem_shared>> -> memref<400xf32, #tpu.memory_space<vmem_shared>>
        %dma_start3A_298 = arith.constant 0 : i32
        %dma_start3A_299 = tpu.memref_slice %arg8[%dma_start3A_298] : memref<640xf32, #tpu.memory_space<vmem>> -> memref<400xf32, #tpu.memory_space<vmem>>
        %dma_start3A_300 = arith.constant 9600 : i32
        %dma_start3A_301 = tpu.memref_slice %arg9[%dma_start3A_300] : memref<10240xf32, #tpu.memory_space<vmem_shared>> -> memref<400xf32, #tpu.memory_space<vmem_shared>>
        tpu.enqueue_dma source(%dma_start3A_301 : memref<400xf32, #tpu.memory_space<vmem_shared>>) target(%dma_start3A_299 : memref<400xf32, #tpu.memory_space<vmem>>) target_semaphore(%run_scoped3A : memref<!tpu.dma_semaphore, #tpu.memory_space<semaphore_mem>>)
        %dma_wait3A_302 = arith.constant 0 : i32
        %dma_wait3A_303 = tpu.memref_slice %arg8[%dma_wait3A_302] : memref<640xf32, #tpu.memory_space<vmem>> -> memref<400xf32, #tpu.memory_space<vmem>>
        %dma_wait3A_304 = arith.constant 9600 : i32
        %dma_wait3A_305 = tpu.memref_slice %arg9[%dma_wait3A_304] : memref<10240xf32, #tpu.memory_space<vmem_shared>> -> memref<400xf32, #tpu.memory_space<vmem_shared>>
        %dma_wait3A_306 = arith.constant 0 : i32
        %dma_wait3A_307 = tpu.memref_slice %arg8[%dma_wait3A_306] : memref<640xf32, #tpu.memory_space<vmem>> -> memref<400xf32, #tpu.memory_space<vmem>>
        %dma_wait3A_308 = arith.constant 9600 : i32
        %dma_wait3A_309 = tpu.memref_slice %arg9[%dma_wait3A_308] : memref<10240xf32, #tpu.memory_space<vmem_shared>> -> memref<400xf32, #tpu.memory_space<vmem_shared>>
        tpu.wait_dma2 semaphore(%run_scoped3A : memref<!tpu.dma_semaphore, #tpu.memory_space<semaphore_mem>>) src(%dma_wait3A_309 : memref<400xf32, #tpu.memory_space<vmem_shared>>) dst(%dma_wait3A_307 : memref<400xf32, #tpu.memory_space<vmem>>)
        tpu.yield
      }) : () -> ()
      "tpu.region"() ({
        %run_scoped3A = tpu.sem_alloc : memref<!tpu.dma_semaphore, #tpu.memory_space<semaphore_mem>>
        %dma_start3A_294 = arith.constant 0 : i32
        %dma_start3A_295 = tpu.memref_slice %arg8[%dma_start3A_294] : memref<640xf32, #tpu.memory_space<vmem>> -> memref<400xf32, #tpu.memory_space<vmem>>
        %dma_start3A_296 = arith.constant 9600 : i32
        %dma_start3A_297 = tpu.memref_slice %arg4[%dma_start3A_296] : memref<10000xf32, #tpu.memory_space<hbm>> -> memref<400xf32, #tpu.memory_space<hbm>>
        %dma_start3A_298 = arith.constant 9600 : i32
        %dma_start3A_299 = tpu.memref_slice %arg4[%dma_start3A_298] : memref<10000xf32, #tpu.memory_space<hbm>> -> memref<400xf32, #tpu.memory_space<hbm>>
        %dma_start3A_300 = arith.constant 0 : i32
        %dma_start3A_301 = tpu.memref_slice %arg8[%dma_start3A_300] : memref<640xf32, #tpu.memory_space<vmem>> -> memref<400xf32, #tpu.memory_space<vmem>>
        tpu.enqueue_dma source(%dma_start3A_301 : memref<400xf32, #tpu.memory_space<vmem>>) target(%dma_start3A_299 : memref<400xf32, #tpu.memory_space<hbm>>) target_semaphore(%run_scoped3A : memref<!tpu.dma_semaphore, #tpu.memory_space<semaphore_mem>>)
        %dma_wait3A_302 = arith.constant 0 : i32
        %dma_wait3A_303 = tpu.memref_slice %arg8[%dma_wait3A_302] : memref<640xf32, #tpu.memory_space<vmem>> -> memref<400xf32, #tpu.memory_space<vmem>>
        %dma_wait3A_304 = arith.constant 9600 : i32
        %dma_wait3A_305 = tpu.memref_slice %arg4[%dma_wait3A_304] : memref<10000xf32, #tpu.memory_space<hbm>> -> memref<400xf32, #tpu.memory_space<hbm>>
        %dma_wait3A_306 = arith.constant 9600 : i32
        %dma_wait3A_307 = tpu.memref_slice %arg4[%dma_wait3A_306] : memref<10000xf32, #tpu.memory_space<hbm>> -> memref<400xf32, #tpu.memory_space<hbm>>
        %dma_wait3A_308 = arith.constant 0 : i32
        %dma_wait3A_309 = tpu.memref_slice %arg8[%dma_wait3A_308] : memref<640xf32, #tpu.memory_space<vmem>> -> memref<400xf32, #tpu.memory_space<vmem>>
        tpu.wait_dma2 semaphore(%run_scoped3A : memref<!tpu.dma_semaphore, #tpu.memory_space<semaphore_mem>>) src(%dma_wait3A_309 : memref<400xf32, #tpu.memory_space<vmem>>) dst(%dma_wait3A_307 : memref<400xf32, #tpu.memory_space<hbm>>)
        tpu.yield
      }) : () -> ()
    } else {
    }
    return
  }
}

module attributes {stable_mosaic.version = 14 : i64} {
  func.func @_matvec_body(%arg0: i32, %arg1: memref<125x128x128xf32, #tpu.memory_space<vmem>>, %arg2: memref<125x128x128xf32, #tpu.memory_space<vmem>>, %arg3: memref<512x128xf32, #tpu.memory_space<vmem>>, %arg4: memref<1x512xf32, #tpu.memory_space<vmem>>, %arg5: memref<1x125x128xf32, #tpu.memory_space<vmem>>, %arg6: memref<1x125x128xf32, #tpu.memory_space<vmem>>) attributes {dimension_semantics = [#tpu.dimension_semantics<arbitrary>], iteration_bounds = array<i64: 10>, scalar_prefetch = 0 : i64, scratch_operands = 0 : i64, tpu.core_type = #tpu.core_type<tc>, window_params = [{transform_indices = @transform_0, window_bounds = array<i64: 125, 128, 128>}, {transform_indices = @transform_1, window_bounds = array<i64: 125, 128, 128>}, {pipeline_mode = #tpu.pipeline_mode<synchronous>, transform_indices = @transform_2, window_bounds = array<i64: 512, 128>}, {pipeline_mode = #tpu.pipeline_mode<synchronous>, transform_indices = @transform_3, window_bounds = array<i64: 1, 512>}, {transform_indices = @transform_4, window_bounds = array<i64: 1, 125, 128>}, {transform_indices = @transform_5, window_bounds = array<i64: 1, 125, 128>}]} {
    %get3A = arith.constant 0 : index
    %get3A_0 = arith.constant 0 : index
    %get3A_1 = vector.load %arg4[%get3A, %get3A_0] : memref<1x512xf32, #tpu.memory_space<vmem>>, vector<1x512xf32>
    %get3A_2 = arith.constant 0 : index
    %get3A_3 = arith.constant 0 : index
    %get3A_4 = vector.load %arg3[%get3A_2, %get3A_3] : memref<512x128xf32, #tpu.memory_space<vmem>>, vector<512x128xf32>
    %dot_general3A = arith.constant dense<0.000000e+00> : vector<1x128xf32>
    %dot_general3A_5 = tpu.matmul %get3A_1, %get3A_4, %dot_general3A {dimension_numbers = #tpu.dot_dimension_numbers<[1], [0], [0], [1], [0, 0, 1, 1], [], []>, transpose_lhs_hint = false} : vector<1x512xf32>, vector<512x128xf32>, vector<1x128xf32> -> vector<1x128xf32>
    %squeeze3A = vector.shape_cast %dot_general3A_5 : vector<1x128xf32> to vector<128xf32>
    %broadcast_in_dim3A = vector.shape_cast %squeeze3A : vector<128xf32> to vector<1x1x128xf32>
    %get3A_6 = arith.constant 0 : index
    %get3A_7 = arith.constant 0 : index
    %get3A_8 = arith.constant 0 : index
    %get3A_9 = vector.load %arg1[%get3A_6, %get3A_7, %get3A_8] : memref<125x128x128xf32, #tpu.memory_space<vmem>>, vector<125x128x128xf32>
    %mul3A = vector.broadcast %broadcast_in_dim3A : vector<1x1x128xf32> to vector<125x128x128xf32>
    %mul3A_10 = arith.mulf %get3A_9, %mul3A : vector<125x128x128xf32>
    %reduce_sum3A = arith.constant dense<0.000000e+00> : vector<125x128xf32>
    %reduce_sum3A_11 = vector.multi_reduction <add>, %mul3A_10, %reduce_sum3A [2] : vector<125x128x128xf32> to vector<125x128xf32>
    %broadcast_in_dim3A_12 = vector.shape_cast %reduce_sum3A_11 : vector<125x128xf32> to vector<1x125x128xf32>
    %swap3A = arith.constant 0 : index
    %swap3A_13 = arith.constant 0 : index
    %swap3A_14 = arith.constant 0 : index
    %swap3A_15 = vector.load %arg5[%swap3A, %swap3A_13, %swap3A_14] : memref<1x125x128xf32, #tpu.memory_space<vmem>>, vector<1x125x128xf32>
    tpu.vector_store %arg5[%swap3A, %swap3A_13, %swap3A_14], %broadcast_in_dim3A_12 {strides = array<i32>} : memref<1x125x128xf32, #tpu.memory_space<vmem>>, vector<1x125x128xf32>,
    %get3A_16 = arith.constant 0 : index
    %get3A_17 = arith.constant 0 : index
    %get3A_18 = arith.constant 0 : index
    %get3A_19 = vector.load %arg2[%get3A_16, %get3A_17, %get3A_18] : memref<125x128x128xf32, #tpu.memory_space<vmem>>, vector<125x128x128xf32>
    %mul3A_20 = vector.broadcast %broadcast_in_dim3A : vector<1x1x128xf32> to vector<125x128x128xf32>
    %mul3A_21 = arith.mulf %get3A_19, %mul3A_20 : vector<125x128x128xf32>
    %reduce_sum3A_22 = arith.constant dense<0.000000e+00> : vector<125x128xf32>
    %reduce_sum3A_23 = vector.multi_reduction <add>, %mul3A_21, %reduce_sum3A_22 [2] : vector<125x128x128xf32> to vector<125x128xf32>
    %broadcast_in_dim3A_24 = vector.shape_cast %reduce_sum3A_23 : vector<125x128xf32> to vector<1x125x128xf32>
    %swap3A_25 = arith.constant 0 : index
    %swap3A_26 = arith.constant 0 : index
    %swap3A_27 = arith.constant 0 : index
    %swap3A_28 = vector.load %arg6[%swap3A_25, %swap3A_26, %swap3A_27] : memref<1x125x128xf32, #tpu.memory_space<vmem>>, vector<1x125x128xf32>
    tpu.vector_store %arg6[%swap3A_25, %swap3A_26, %swap3A_27], %broadcast_in_dim3A_24 {strides = array<i32>} : memref<1x125x128xf32, #tpu.memory_space<vmem>>, vector<1x125x128xf32>,
    return
  }
  func.func @transform_0(%arg0: i32) -> (i32, i32, i32) {
    %add3A = arith.constant 0 : i32
    %add3A_0 = arith.addi %add3A, %arg0 : i32
    %c0_i32 = arith.constant 0 : i32
    %c0_i32_1 = arith.constant 0 : i32
    %c0_i32_2 = arith.constant 0 : i32
    return %add3A_0, %c0_i32, %c0_i32_1 : i32, i32, i32
  }
  func.func @transform_1(%arg0: i32) -> (i32, i32, i32) {
    %add3A = arith.constant 10 : i32
    %add3A_0 = arith.addi %add3A, %arg0 : i32
    %c0_i32 = arith.constant 0 : i32
    %c0_i32_1 = arith.constant 0 : i32
    %c0_i32_2 = arith.constant 0 : i32
    return %add3A_0, %c0_i32, %c0_i32_1 : i32, i32, i32
  }
  func.func @transform_2(%arg0: i32) -> (i32, i32) {
    %c0_i32 = arith.constant 0 : i32
    %c0_i32_0 = arith.constant 0 : i32
    %c0_i32_1 = arith.constant 0 : i32
    return %c0_i32, %c0_i32_0 : i32, i32
  }
  func.func @transform_3(%arg0: i32) -> (i32, i32) {
    %c0_i32 = arith.constant 0 : i32
    %c0_i32_0 = arith.constant 0 : i32
    %c0_i32_1 = arith.constant 0 : i32
    return %c0_i32, %c0_i32_0 : i32, i32
  }
  func.func @transform_4(%arg0: i32) -> (i32, i32, i32) {
    %c0_i32 = arith.constant 0 : i32
    %c0_i32_0 = arith.constant 0 : i32
    %c0_i32_1 = arith.constant 0 : i32
    return %arg0, %c0_i32, %c0_i32_0 : i32, i32, i32
  }
  func.func @transform_5(%arg0: i32) -> (i32, i32, i32) {
    %c0_i32 = arith.constant 0 : i32
    %c0_i32_0 = arith.constant 0 : i32
    %c0_i32_1 = arith.constant 0 : i32
    return %arg0, %c0_i32, %c0_i32_0 : i32, i32, i32
  }
}

</mosaic_0001>

<sc_bundles>
// kernel: kernel.4.cloned.1.call-start
scs
__scs_entry_jumppad:
0x0: {  	(pc) =	sbr.rel $0x88, $3  }
0x1: {  	(tag) =	ssettag $0x0;
	lr =	simm.s32 $0x1  }
0x2: {  	[smem:$0x3F9D] =	sst lr;
	_ =	strace $0xD0000000  }
0x3: {  	_ = 	snop  }
0x4: {  	_ = 	snop  }
0x5: {  	_ = 	snop  }
0x6: {  	_ = 	snop  }
0x7: {  	_ = 	snop  }
__scs_overlays_trampoline_lowered:
0x8: {  	[smem:$0x3FAC] =	sst s0  }
0x9: {  	[smem:$0x3FAD] =	sst s1  }
0xa: {  	[smem:$0x3FAE] =	sst s2  }
0xb: {  	[smem:$0x3FAF] =	sst s3  }
0xc: {  	[smem:$0x3FB0] =	sst s4  }
0xd: {  	[smem:$0x3FB1] =	sst s5  }
0xe: {  	[smem:$0x3FB2] =	sst s6  }
0xf: {  	[smem:$0x3FB3] =	sst s7  }
0x10: {  	[smem:$0x3FB4] =	sst s8  }
0x11: {  	[smem:$0x3FB5] =	sst s9;
	s0 =	simm.s32 @!p0 $0x0  }
0x12: {  	s1 =	sld [smem:$0x3F9B];
	s0 =	simm.s32 @p0 $0x1  }
0x13: {  	[smem:$0x3FB6] =	sst s0;
	s0 =	simm.s32 @!p1 $0x0  }
0x14: {  	s2 =	sld [smem:$0x3F9A];
	s0 =	simm.s32 @p1 $0x1  }
0x15: {  	[smem:$0x3FB7] =	sst s0;
	s0 =	simm.s32 @!p2 $0x0  }
0x16: {  	s3 =	sld [smem:$0x3FDB];
	s0 =	simm.s32 @p2 $0x1  }
0x17: {  	s4 =	simm.s32 $0x1BF5;
	[smem:$0x3FB9] =	sst s0  }
0x18: {  	s0 =	sld [smem:$0x3F9C];
	_ =	swait.ge [sflag:s4], $0x0  }
0x19: {  	s7 =	sld [smem:$0x3F9D]  }
0x1a: {  	s8 =	sadd.s32 $0xFFFFE003, lr  }
0x1b: {  	s9 =	sadd.s32 $0xFFFFFEF7, lr;
	s5 =	simm.s32 $0xFFFFFFFF;
	p2 =	slt.u32 s8, $0xFFFFF086  }
0x1c: {  	p1 =	slt.u32 s9, $0xF7A;
	s5 =	simm.s32 @!p2 $0x0  }
0x1d: {  	s5 =	simm.s32 @p1 $0x1;
	p0 =	seq.s32 s7, s2  }
0x1e: {  	s7 =	smul.u32 @!p0 $0xF7A, s2;
	p2 =	seq.s32 @!p0 s5, $0x0  }
0x1f: {  	s9 =	smul.u32 $0xF7A, s1;
	s8 =	simm.s32 @!p0 $0x1BF5;
	p2 =	por !p2, p0  }
0x20: {  	[sflag:s8] =	ssyncset.s32 @!p0 $0xFFFFF086;
	s6 =	sadd.s32 @!p0 s3, s7;
	s7 =	simm.s32 @!p0 $0x108  }
0x21: {  	s3 =	sadd.s32 s3, s9;
	s6 =	sadd.s32 @!p0 $0x88, s6;
	s7 =	simm.s32 @p2 $0x1082  }
0x22: {  	[simem:s7], [sflag:s8] =	dma.local @!p0 [hbm:s6], $0xF7A  }
0x23: {  	s9 =	sor.u32 $0xD0000000, s2;
	s6 =	simm.s32 $0x108;
	_ =	swait.ge @!p0 [sflag:s8], $0x0  }
0x24: {  	s3 =	sadd.s32 $0x88, s3;
	s6 =	simm.s32 @!p1 $0x1082;
	[sflag:s4] =	ssyncset.s32 $0xFFFFF086  }
0x25: {  	[simem:s6], [sflag:s4] =	dma.local [hbm:s3], $0xF7A  }
0x26: {  	[smem:$0x3F9D] =	sst s1;
	(tag) =	ssettag s2;
	_ =	strace s9  }
0x27: {  	s1 =	sld [smem:$0x3FAD]  }
0x28: {  	s2 =	sld [smem:$0x3FAE]  }
0x29: {  	s4 =	sld [smem:$0x3FB0]  }
0x2a: {  	p0 =	seq.s32 s5, $0x0;
	s5 =	sld [smem:$0x3FB1]  }
0x2b: {  	s6 =	sld [smem:$0x3FB2]  }
0x2c: {  	s7 =	sld [smem:$0x3FB3]  }
0x2d: {  	s3 =	simm.s32 $0x108;
	s8 =	sld [smem:$0x3FB4]  }
0x2e: {  	s3 =	simm.s32 @!p0 $0x1082;
	s9 =	sld [smem:$0x3FB5]  }
0x2f: {  	lr =	sadd.s32 s0, s3;
	s0 =	sld [smem:$0x3FAC]  }
0x30: {  	s3 =	sld [smem:$0x3FAF]  }
0x31: {  	[smem:$0x3FB8] =	sst s10  }
0x32: {  	s10 =	sld [smem:$0x3FB6];
	_ =	sdelay $0x3  }
0x33: {  	p0 =	seq.s32 s10, $0x1;
	s10 =	sld [smem:$0x3FB8];
	_ =	sdelay $0x3  }
0x34: {  	[smem:$0x3FB8] =	sst s10  }
0x35: {  	s10 =	sld [smem:$0x3FB7];
	_ =	sdelay $0x3  }
0x36: {  	p1 =	seq.s32 s10, $0x1;
	s10 =	sld [smem:$0x3FB8];
	_ =	sdelay $0x3  }
0x37: {  	[smem:$0x3FB8] =	sst s10  }
0x38: {  	s10 =	sld [smem:$0x3FB9]  }
0x39: {  	_ = 	snop;
	(pc) =	sbr.ind lr, $3  }
0x3a: {  	_ = 	snop  }
0x3b: {  	_ = 	snop  }
0x3c: {  	p2 =	seq.s32 s10, $0x1;
	s10 =	sld [smem:$0x3FB8]  }
0x3d: {  	_ =	shalt  }
0x3e: {  	_ =	shalt  }
0x3f: {  	_ =	shalt  }
0x40: {  	_ =	shalt  }
0x41: {  	_ =	shalt  }
0x42: {  	_ =	shalt  }
0x43: {  	_ =	shalt  }
0x44: {  	_ =	shalt  }
0x45: {  	_ =	shalt  }
0x46: {  	_ =	shalt  }
0x47: {  	_ =	shalt  }
0x48: {  	_ =	shalt  }
0x49: {  	_ =	shalt  }
0x4a: {  	_ =	shalt  }
0x4b: {  	_ =	shalt  }
0x4c: {  	_ =	shalt  }
0x4d: {  	_ =	shalt  }
0x4e: {  	_ =	shalt  }
0x4f: {  	_ =	shalt  }
0x50: {  	_ =	shalt  }
0x51: {  	_ =	shalt  }
0x52: {  	_ =	shalt  }
0x53: {  	_ =	shalt  }
0x54: {  	_ =	shalt  }
0x55: {  	_ =	shalt  }
0x56: {  	_ =	shalt  }
0x57: {  	_ =	shalt  }
0x58: {  	_ =	shalt  }
0x59: {  	_ =	shalt  }
0x5a: {  	_ =	shalt  }
0x5b: {  	_ =	shalt  }
0x5c: {  	_ =	shalt  }
0x5d: {  	_ =	shalt  }
0x5e: {  	_ =	shalt  }
0x5f: {  	_ =	shalt  }
0x60: {  	_ =	shalt  }
0x61: {  	_ =	shalt  }
0x62: {  	_ =	shalt  }
0x63: {  	_ =	shalt  }
0x64: {  	_ =	shalt  }
0x65: {  	_ =	shalt  }
0x66: {  	_ =	shalt  }
0x67: {  	_ =	shalt  }
0x68: {  	_ =	shalt  }
0x69: {  	_ =	shalt  }
0x6a: {  	_ =	shalt  }
0x6b: {  	_ =	shalt  }
0x6c: {  	_ =	shalt  }
0x6d: {  	_ =	shalt  }
0x6e: {  	_ =	shalt  }
0x6f: {  	_ =	shalt  }
0x70: {  	_ =	shalt  }
0x71: {  	_ =	shalt  }
0x72: {  	_ =	shalt  }
0x73: {  	_ =	shalt  }
0x74: {  	_ =	shalt  }
0x75: {  	_ =	shalt  }
0x76: {  	_ =	shalt  }
0x77: {  	_ =	shalt  }
0x78: {  	_ =	shalt  }
0x79: {  	_ =	shalt  }
0x7a: {  	_ =	shalt  }
0x7b: {  	_ =	shalt  }
0x7c: {  	_ =	shalt  }
0x7d: {  	_ =	shalt  }
0x7e: {  	_ =	shalt  }
0x7f: {  	_ =	shalt  }
0x80: {  	_ =	shalt  }
0x81: {  	_ =	shalt  }
0x82: {  	_ =	shalt  }
0x83: {  	_ =	shalt  }
0x84: {  	_ =	shalt  }
0x85: {  	_ =	shalt  }
0x86: {  	_ =	shalt  }
0x87: {  	_ =	shalt  }
.Lfunc_end0:
.L_simem_size_0:
called_computation_lowered:
.L_overlay_start_0:
0x88: {  	s0 =	sld [smem:$0x3FD9]  }
0x89: {  	s1 =	sld [smem:$0x3FFE];
	_ =	sdelay $0x3  }
0x8a: {  	s0 =	sadd.s32 s1, s0  }
0x8b: {  	[smem:$0x3FC4] =	sst s0  }
0x8c: {  	_ = 	snop  }
0x8d: {  	(tm) =	ssettm $0x1  }
0x8e: {  	s15 =	sld [smem:$0x3FFB];
	_ =	sdelay $0x3  }
0x8f: {  	_ =	strace s15  }
0x90: {  	s0 =	sld [smem:$0x3FFC];
	_ =	sdelay $0x3  }
0x91: {  	_ =	strace s0  }
0x92: {  	s0 =	sld [smem:$0x3FFD];
	_ =	sdelay $0x3  }
0x93: {  	_ =	strace s0  }
0x94: {  	_ =	strace $0x8FFFFFFF  }
0x95: {  	s16 =	sld [smem:$0x3FDB];
	_ =	sdelay $0x1  }
0x96: {  	s17 =	simm.s32 $_scs_section_size  }
0x97: {  	s2 =	simm.s32 $_size__tile_overlayer_lowered;
	s3 =	simm.s32 $_tile_overlayer_lowered  }
0x98: {  	s20 =	simm.s32 $0x1BFF;
	s19 =	sshll.u32 s3, $0x1;
	s0 =	sadd.s32 s17, s16  }
0x99: {  	s4 =	simm.s32 $0x0;
	s18 =	sshll.u32 s2, $0x1;
	s2 =	sadd.s32 s19, s0  }
0x9a: {  	[timem:s4], [sflag:s20] =	dma.local [hbm:s2], s18  }
0x9b: {  	_ =	swait.ge [sflag:s20], s18  }
0x9c: {  	s1 =	ssub.s32 $0x0, s18;
	[sflag:s20] =	ssyncset.done $0x0  }
0x9d: {  	[sflag:s20] =	ssyncadd.s32 s1;
	_ =	sdelay $0x1  }
0x9e: {  	s21 =	simm.s32 $0x1B8B  }
0x9f: {  	_ =	swait.ge [sflag:s21], $0x1  }
0xa0: {  	[sflag:s21] =	ssyncset.done $0x0  }
0xa1: {  	s23 =	simm.s32 $0x1B8E;
	s22 =	sld [smem:$0x3FFE];
	[sflag:s21] =	ssyncadd.s32 $0xFFFFFFFF  }
0xa2: {  	s24 =	simm.s32 $execute0_lowered;
	[smem:$0x3FD2] =	sst s23  }
0xa3: {  	s2 =	sshll.u32 s24, $0x1;
	_ =	strace $0x80000046;
	[dreg:$0x1] =	wrdreg $0xFFFFFFFF  }
0xa4: {  	s25 =	simm.s32 $_size_execute0_lowered;
	s0 =	sadd.s32 s0, s2;
	[dreg:$0x0] =	wrdreg $0x0  }
0xa5: {  	s2 =	sshll.u32 s25, $0x1;
	[dreg:$0x2] =	wrdreg s0  }
0xa6: {  	[dreg:$0x3] =	wrdreg s2  }
0xa7: {  	[dreg:$0x4] =	wrdreg $0xC0  }
0xa8: {  	_ =	task [dreg:s4], $0x5FFFF  }
0xa9: {  	[dreg:$0x1] =	wrdreg $0xFFFFFFFF  }
0xaa: {  	[dreg:$0x0] =	wrdreg $0x60  }
0xab: {  	[dreg:$0x2] =	wrdreg s22  }
0xac: {  	[dreg:$0x3] =	wrdreg $0xA5000  }
0xad: {  	[dreg:$0x4] =	wrdreg $0x9  }
0xae: {  	_ =	task.clear_ibuf [dreg:s4], $0x5FFFF;
	_ =	strace $0x90000046  }
0xaf: {  	s26 =	simm.s32 $0x9;
	_ =	strace $0x80000048  }
0xb0: {  	_ =	swait.ge [sflag:s26], $0x1  }
0xb1: {  	[sflag:s26] =	ssyncadd.s32 $0xFFFFFFFF  }
0xb2: {  	_ =	strace $0x90000048  }
0xb3: {  	_ =	sfence  }
0xb4: {  	s28 =	sld [smem:$0x0];
	_ =	sdelay $0x1  }
0xb5: {  	s29 =	srdreg.scid  }
0xb6: {  	s30 =	sshll.u32 s29, $0xD;
	s31 =	sshrl.u32 s29, $0x2  }
0xb7: {  	s1 =	sand.u32 $0x1, s29;
	s2 =	sand.u32 $0x4000, s30;
	s0 =	sadd.s32 s31, s28  }
0xb8: {  	s1 =	sor.u32 s2, s1;
	s0 =	sshll.u32 s0, $0x11  }
0xb9: {  	s0 =	sor.u32 s0, s1  }
0xba: {  	s0 =	sadd.s32 $0x8F2B, s0  }
0xbb: {  	[sflag:s0] =	ssyncadd.remote.s32 $0x1  }
0xbc: {  	_ =	sfence.sel $0xFFFF  }
0xbd: {  	[dreg:$0x0] =	wrdreg $0xFFFFFFFF;
	(pc) =	sbr.abs _section_cstart, $3  }
0xbe: {  	[dreg:$0x1] =	wrdreg $0xFFFFFFFF  }
0xbf: {  	_ =	task.clear_ibuf [dreg:s4], $0x2FFFF;
	_ =	strace $0x9FFFFFFF  }
0xc0: {  	(tm) =	ssettm $0x7FFFFFFF  }
0xc1: {  	_ =	shalt  }
tec
execute0_lowered:
.L_overlay_start_1:
0x0: {  	(tag) =	ssettag $0x1  }
0x1: {  	s0 =	stileid.u32  }
0x2: {  	s5 =	rddreg [dreg:$0x0];
	s2 =	smul.u32 $0xA00, s0  }
0x3: {  	s4 =	rddreg [dreg:$0x1];
	s3 =	simm.s32 $0x0  }
0x4: {  	[smem:$0x7FF] =	sst s3;
	s2 =	sadd.s32 s2, s5  }
0x5: {  	s1 =	rddreg [dreg:$0x2];
	_ =	strace $0x80000047;
	s6 =	sadd.s32 $0xAC00, s2  }
0x6: {  	[tilespmem:s3], [sflag:$0x1] =	stream.linear.gather [hbm4b:s6+s3], $0x5000, $0x38;
	[tilespmem:$0xA780] =	vst v63  }
0x7: {  	s28 =	simm.s32 $0x5000;
	s2 =	sadd.s32 $0xC00, s2  }
0x8: {  	v0 =	vimm.f32 $0.0e+00;
	[tilespmem:s28], [sflag:$0x1] =	stream.linear.gather [hbm4b:s2+s3], $0x5000, $0x38;
	[tilespmem:$0xA780] =	vst v63  }
0x9: {  	[tilespmem:$0xA000] =	vst v0  }
0xa: {  	[tilespmem:$0xA010] =	vst v0  }
0xb: {  	[tilespmem:$0xA020] =	vst v0  }
0xc: {  	[tilespmem:$0xA030] =	vst v0  }
0xd: {  	[tilespmem:$0xA040] =	vst v0  }
0xe: {  	[tilespmem:$0xA050] =	vst v0  }
0xf: {  	[tilespmem:$0xA060] =	vst v0  }
0x10: {  	[tilespmem:$0xA070] =	vst v0  }
0x11: {  	[tilespmem:$0xA080] =	vst v0  }
0x12: {  	[tilespmem:$0xA090] =	vst v0  }
0x13: {  	[tilespmem:$0xA0A0] =	vst v0  }
0x14: {  	[tilespmem:$0xA0B0] =	vst v0  }
0x15: {  	[tilespmem:$0xA0C0] =	vst v0  }
0x16: {  	[tilespmem:$0xA0D0] =	vst v0  }
0x17: {  	[tilespmem:$0xA0E0] =	vst v0  }
0x18: {  	[tilespmem:$0xA0F0] =	vst v0  }
0x19: {  	[tilespmem:$0xA100] =	vst v0  }
0x1a: {  	[tilespmem:$0xA110] =	vst v0  }
0x1b: {  	[tilespmem:$0xA120] =	vst v0  }
0x1c: {  	[tilespmem:$0xA130] =	vst v0  }
0x1d: {  	[tilespmem:$0xA140] =	vst v0  }
0x1e: {  	[tilespmem:$0xA150] =	vst v0  }
0x1f: {  	[tilespmem:$0xA160] =	vst v0  }
0x20: {  	[tilespmem:$0xA170] =	vst v0  }
0x21: {  	[tilespmem:$0xA180] =	vst v0  }
0x22: {  	[tilespmem:$0xA190] =	vst v0  }
0x23: {  	[tilespmem:$0xA1A0] =	vst v0  }
0x24: {  	[tilespmem:$0xA1B0] =	vst v0  }
0x25: {  	[tilespmem:$0xA1C0] =	vst v0  }
0x26: {  	[tilespmem:$0xA1D0] =	vst v0  }
0x27: {  	[tilespmem:$0xA1E0] =	vst v0  }
0x28: {  	[tilespmem:$0xA1F0] =	vst v0  }
0x29: {  	[tilespmem:$0xA200] =	vst v0  }
0x2a: {  	[tilespmem:$0xA210] =	vst v0  }
0x2b: {  	[tilespmem:$0xA220] =	vst v0  }
0x2c: {  	[tilespmem:$0xA230] =	vst v0  }
0x2d: {  	s6 =	smul.u32 $0xFFFFFF60, s0;
	[tilespmem:$0xA240] =	vst v0  }
0x2e: {  	s29 =	smul.u32 $0x280, s0;
	[tilespmem:$0xA250] =	vst v0  }
0x2f: {  	p0 =	slt.s32 s6, $0xFFFFF6DC;
	[tilespmem:$0xA260] =	vst v0  }
0x30: {  	s7 =	simm.s32 $0xA000;
	s2 =	sadd.s32 s29, s4;
	[tilespmem:$0xA270] =	vst v0;
	s6 =	simm.s32 @!p0 $0xFFFFF6DC  }
0x31: {  	[spmem:s2] =	stream.linear.scatter [tilespmem:s7], [sflag:$0x3], $0x280, $0x38;
	[tilespmem:$0xA780] =	vst v63  }
0x32: {  	s6 =	sadd.s32 $0xFFFFFFC4, s6  }
0x33: {  	s6 =	sand.u32 $0xFC, s6  }
0x34: {  	s30 =	simm.s32 $0x3;
	s6 =	smul.u32 $0xCD, s6  }
0x35: {  	_ =	swait.ge [sflag:s30], $0x280  }
0x36: {  	[sflag:s30] =	ssyncset.done $0x0;
	s8 =	sshrl.u32 s6, $0xC  }
0x37: {  	[sflag:s30] =	ssyncadd.s32 $0xFFFFFD80;
	s8 =	ssub.s32 $0x0, s8  }
0x38: {  	s31 =	simm.s32 $0x1;
	[bflag:$0x0] =	sbarrier.arrive $0xFFFF;
	s9 =	sadd.s32 $0x1, s8  }
0x39: {  	_ =	swait.ge [sflag:s31], $0x5000;
	p1 =	seq.s32 s9, $0x0  }
.Ltmp0:
0x3a: {  	s3 =	sshrl.u32 s29, $0x3;
	[sflag:s31] =	ssyncset.done $0x0;
	(pc) =	sbr.rel @p1 .LBB2_3-.Ltmp0, $4  }
0x3b: {  	s11 =	simm.s32 $0x0;
	s3 =	sadd.s32 s3, s5;
	[sflag:s31] =	ssyncadd.s32 $0xFFFFB000  }
0x3c: {  	s5 =	sadd.s32 $0x150B0, s5;
	p0 =	por $0x0, $0x0;
	_ =	swait.ge [sflag:s31], $0x5000  }
0x3d: {  	s3 =	sadd.s32 $0x14C00, s3;
	s7 =	simm.s32 $0x2;
	[sflag:s31] =	ssyncset.done $0x0  }
0x3e: {  	s6 =	sadd.s32 $0x2580, s4;
	s8 =	simm.s32 $0x80;
	[sflag:s31] =	ssyncadd.s32 $0xFFFFB000  }
0x3f: {  	s10 =	simm.s32 $0x5000  }
0x40: {  	[spmem:s4] =	stream.indirect.scatter.add.f32 [tilespmem:s10], [sflag:$0x2], $0x1, s11, s8, $0xb8;
	[tilespmem:$0xA780] =	vst v63  }
0x41: {  	s13 =	simm.s32 $0x5080;
	s14 =	simm.s32 $0x80  }
0x42: {  	[spmem:s4] =	stream.indirect.scatter.add.f32 [tilespmem:s13], [sflag:$0x2], $0x1, s14, s8, $0xb8;
	[tilespmem:$0xA780] =	vst v63  }
0x43: {  	s15 =	simm.s32 $0x5100;
	s16 =	simm.s32 $0x100  }
0x44: {  	[spmem:s4] =	stream.indirect.scatter.add.f32 [tilespmem:s15], [sflag:$0x2], $0x1, s16, s8, $0xb8;
	[tilespmem:$0xA780] =	vst v63  }
0x45: {  	s17 =	simm.s32 $0x5180;
	s18 =	simm.s32 $0x180  }
0x46: {  	[spmem:s4] =	stream.indirect.scatter.add.f32 [tilespmem:s17], [sflag:$0x2], $0x1, s18, s8, $0xb8;
	[tilespmem:$0xA780] =	vst v63  }
0x47: {  	s19 =	simm.s32 $0x5200;
	s20 =	simm.s32 $0x200  }
0x48: {  	[spmem:s4] =	stream.indirect.scatter.add.f32 [tilespmem:s19], [sflag:$0x2], $0x1, s20, s8, $0xb8;
	[tilespmem:$0xA780] =	vst v63  }
0x49: {  	s21 =	simm.s32 $0x5280;
	s22 =	simm.s32 $0x280  }
0x4a: {  	[spmem:s4] =	stream.indirect.scatter.add.f32 [tilespmem:s21], [sflag:$0x2], $0x1, s22, s8, $0xb8;
	[tilespmem:$0xA780] =	vst v63  }
0x4b: {  	s23 =	simm.s32 $0x5300;
	s24 =	simm.s32 $0x300  }
0x4c: {  	[spmem:s4] =	stream.indirect.scatter.add.f32 [tilespmem:s23], [sflag:$0x2], $0x1, s24, s8, $0xb8;
	[tilespmem:$0xA780] =	vst v63  }
0x4d: {  	s25 =	simm.s32 $0x5380;
	s26 =	simm.s32 $0x380  }
0x4e: {  	[spmem:s4] =	stream.indirect.scatter.add.f32 [tilespmem:s25], [sflag:$0x2], $0x1, s26, s8, $0xb8;
	[tilespmem:$0xA780] =	vst v63  }
0x4f: {  	s28 =	simm.s32 $0x5400;
	s29 =	simm.s32 $0x400  }
0x50: {  	[spmem:s4] =	stream.indirect.scatter.add.f32 [tilespmem:s28], [sflag:$0x2], $0x1, s29, s8, $0xb8;
	[tilespmem:$0xA780] =	vst v63  }
0x51: {  	s30 =	simm.s32 $0x5480;
	s31 =	simm.s32 $0x480  }
0x52: {  	[spmem:s4] =	stream.indirect.scatter.add.f32 [tilespmem:s30], [sflag:$0x2], $0x1, s31, s8, $0xb8;
	[tilespmem:$0xA780] =	vst v63  }
0x53: {  	s12 =	simm.s32 $0x500;
	s11 =	simm.s32 $0x5500  }
0x54: {  	[spmem:s4] =	stream.indirect.scatter.add.f32 [tilespmem:s11], [sflag:$0x2], $0x1, s12, s8, $0xb8;
	[tilespmem:$0xA780] =	vst v63  }
0x55: {  	s13 =	simm.s32 $0x5580;
	s14 =	simm.s32 $0x580  }
0x56: {  	[spmem:s4] =	stream.indirect.scatter.add.f32 [tilespmem:s13], [sflag:$0x2], $0x1, s14, s8, $0xb8;
	[tilespmem:$0xA780] =	vst v63  }
0x57: {  	s15 =	simm.s32 $0x5600;
	s16 =	simm.s32 $0x600  }
0x58: {  	[spmem:s4] =	stream.indirect.scatter.add.f32 [tilespmem:s15], [sflag:$0x2], $0x1, s16, s8, $0xb8;
	[tilespmem:$0xA780] =	vst v63  }
0x59: {  	s17 =	simm.s32 $0x5680;
	s18 =	simm.s32 $0x680  }
0x5a: {  	[spmem:s4] =	stream.indirect.scatter.add.f32 [tilespmem:s17], [sflag:$0x2], $0x1, s18, s8, $0xb8;
	[tilespmem:$0xA780] =	vst v63  }
0x5b: {  	s19 =	simm.s32 $0x5700;
	s20 =	simm.s32 $0x700  }
0x5c: {  	[spmem:s4] =	stream.indirect.scatter.add.f32 [tilespmem:s19], [sflag:$0x2], $0x1, s20, s8, $0xb8;
	[tilespmem:$0xA780] =	vst v63  }
0x5d: {  	s21 =	simm.s32 $0x5780;
	s22 =	simm.s32 $0x780  }
0x5e: {  	[spmem:s4] =	stream.indirect.scatter.add.f32 [tilespmem:s21], [sflag:$0x2], $0x1, s22, s8, $0xb8;
	[tilespmem:$0xA780] =	vst v63  }
0x5f: {  	s23 =	simm.s32 $0x5800;
	s24 =	simm.s32 $0x800  }
0x60: {  	[spmem:s4] =	stream.indirect.scatter.add.f32 [tilespmem:s23], [sflag:$0x2], $0x1, s24, s8, $0xb8;
	[tilespmem:$0xA780] =	vst v63  }
0x61: {  	s25 =	simm.s32 $0x5880;
	s26 =	simm.s32 $0x880  }
0x62: {  	[spmem:s4] =	stream.indirect.scatter.add.f32 [tilespmem:s25], [sflag:$0x2], $0x1, s26, s8, $0xb8;
	[tilespmem:$0xA780] =	vst v63  }
0x63: {  	s28 =	simm.s32 $0x5900;
	s29 =	simm.s32 $0x900  }
0x64: {  	[spmem:s4] =	stream.indirect.scatter.add.f32 [tilespmem:s28], [sflag:$0x2], $0x1, s29, s8, $0xb8;
	[tilespmem:$0xA780] =	vst v63  }
0x65: {  	s30 =	simm.s32 $0x5980;
	s31 =	simm.s32 $0x980  }
0x66: {  	[spmem:s4] =	stream.indirect.scatter.add.f32 [tilespmem:s30], [sflag:$0x2], $0x1, s31, s8, $0xb8;
	[tilespmem:$0xA780] =	vst v63  }
0x67: {  	_ =	swait.ge [sflag:s7], $0x80  }
0x68: {  	[sflag:s7] =	ssyncset.done $0x0  }
0x69: {  	[sflag:s7] =	ssyncadd.s32 $0xFFFFFF80  }
0x6a: {  	_ =	swait.ge [sflag:s7], $0x80  }
0x6b: {  	[sflag:s7] =	ssyncset.done $0x0  }
0x6c: {  	[sflag:s7] =	ssyncadd.s32 $0xFFFFFF80  }
0x6d: {  	_ =	swait.ge [sflag:s7], $0x80  }
0x6e: {  	[sflag:s7] =	ssyncset.done $0x0  }
0x6f: {  	[sflag:s7] =	ssyncadd.s32 $0xFFFFFF80  }
0x70: {  	_ =	swait.ge [sflag:s7], $0x80  }
0x71: {  	[sflag:s7] =	ssyncset.done $0x0  }
0x72: {  	[sflag:s7] =	ssyncadd.s32 $0xFFFFFF80  }
0x73: {  	_ =	swait.ge [sflag:s7], $0x80  }
0x74: {  	[sflag:s7] =	ssyncset.done $0x0  }
0x75: {  	[sflag:s7] =	ssyncadd.s32 $0xFFFFFF80  }
0x76: {  	_ =	swait.ge [sflag:s7], $0x80  }
0x77: {  	[sflag:s7] =	ssyncset.done $0x0  }
0x78: {  	[sflag:s7] =	ssyncadd.s32 $0xFFFFFF80  }
0x79: {  	_ =	swait.ge [sflag:s7], $0x80  }
0x7a: {  	[sflag:s7] =	ssyncset.done $0x0  }
0x7b: {  	[sflag:s7] =	ssyncadd.s32 $0xFFFFFF80  }
0x7c: {  	_ =	swait.ge [sflag:s7], $0x80  }
0x7d: {  	[sflag:s7] =	ssyncset.done $0x0  }
0x7e: {  	[sflag:s7] =	ssyncadd.s32 $0xFFFFFF80  }
0x7f: {  	_ =	swait.ge [sflag:s7], $0x80  }
0x80: {  	[sflag:s7] =	ssyncset.done $0x0  }
0x81: {  	[sflag:s7] =	ssyncadd.s32 $0xFFFFFF80  }
0x82: {  	_ =	swait.ge [sflag:s7], $0x80  }
0x83: {  	[sflag:s7] =	ssyncset.done $0x0  }
0x84: {  	[sflag:s7] =	ssyncadd.s32 $0xFFFFFF80  }
0x85: {  	_ =	swait.ge [sflag:s7], $0x80  }
0x86: {  	[sflag:s7] =	ssyncset.done $0x0  }
0x87: {  	[sflag:s7] =	ssyncadd.s32 $0xFFFFFF80  }
0x88: {  	_ =	swait.ge [sflag:s7], $0x80  }
0x89: {  	[sflag:s7] =	ssyncset.done $0x0  }
0x8a: {  	[sflag:s7] =	ssyncadd.s32 $0xFFFFFF80  }
0x8b: {  	_ =	swait.ge [sflag:s7], $0x80  }
0x8c: {  	[sflag:s7] =	ssyncset.done $0x0  }
0x8d: {  	[sflag:s7] =	ssyncadd.s32 $0xFFFFFF80  }
0x8e: {  	_ =	swait.ge [sflag:s7], $0x80  }
0x8f: {  	[sflag:s7] =	ssyncset.done $0x0  }
0x90: {  	[sflag:s7] =	ssyncadd.s32 $0xFFFFFF80  }
0x91: {  	_ =	swait.ge [sflag:s7], $0x80  }
0x92: {  	[sflag:s7] =	ssyncset.done $0x0  }
0x93: {  	[sflag:s7] =	ssyncadd.s32 $0xFFFFFF80  }
0x94: {  	_ =	swait.ge [sflag:s7], $0x80  }
0x95: {  	[sflag:s7] =	ssyncset.done $0x0  }
0x96: {  	[sflag:s7] =	ssyncadd.s32 $0xFFFFFF80  }
0x97: {  	_ =	swait.ge [sflag:s7], $0x80  }
0x98: {  	[sflag:s7] =	ssyncset.done $0x0  }
0x99: {  	[sflag:s7] =	ssyncadd.s32 $0xFFFFFF80  }
0x9a: {  	_ =	swait.ge [sflag:s7], $0x80  }
0x9b: {  	s9 =	sadd.s32 $0x1, s9;
	[sflag:s7] =	ssyncset.done $0x0  }
0x9c: {  	p1 =	seq.s32 s9, $0x0;
	[sflag:s7] =	ssyncadd.s32 $0xFFFFFF80  }
.Ltmp1:
0x9d: {  	_ =	swait.ge [sflag:s7], $0x80;
	(pc) =	sbr.rel @p1 .LBB2_3-.Ltmp1, $4  }
0x9e: {  	[sflag:s7] =	ssyncset.done $0x0  }
0x9f: {  	[sflag:s7] =	ssyncadd.s32 $0xFFFFFF80  }
0xa0: {  	p0 =	por $0x1, $0x1;
	_ =	swait.ge [sflag:s7], $0x80  }
0xa1: {  	s10 =	simm.s32 $0x2800;
	s11 =	simm.s32 $0xA00;
	[sflag:s7] =	ssyncset.done $0x0  }
.LBB2_2:
0xa2: {  	s9 =	sadd.s32 $0x1, s9;
	s12 =	sadd.s32 $0x5000, s11;
	[sflag:s7] =	ssyncadd.s32 $0xFFFFFF80  }
0xa3: {  	[spmem:s4] =	stream.indirect.scatter.add.f32 [tilespmem:s12], [sflag:$0x2], $0x1, s11, s8, $0xb8;
	[tilespmem:$0xA780] =	vst v63  }
0xa4: {  	s13 =	sadd.s32 $0x80, s11;
	p1 =	seq.s32 s9, $0x0;
	s12 =	sadd.s32 $0x5080, s11  }
0xa5: {  	[spmem:s4] =	stream.indirect.scatter.add.f32 [tilespmem:s12], [sflag:$0x2], $0x1, s13, s8, $0xb8;
	[tilespmem:$0xA780] =	vst v63  }
0xa6: {  	s12 =	sadd.s32 $0x5100, s11;
	s13 =	sadd.s32 $0x100, s11  }
0xa7: {  	[spmem:s4] =	stream.indirect.scatter.add.f32 [tilespmem:s12], [sflag:$0x2], $0x1, s13, s8, $0xb8;
	[tilespmem:$0xA780] =	vst v63  }
0xa8: {  	s12 =	sadd.s32 $0x5180, s11;
	s13 =	sadd.s32 $0x180, s11  }
0xa9: {  	[spmem:s4] =	stream.indirect.scatter.add.f32 [tilespmem:s12], [sflag:$0x2], $0x1, s13, s8, $0xb8;
	[tilespmem:$0xA780] =	vst v63  }
0xaa: {  	s12 =	sadd.s32 $0x5200, s11;
	s13 =	sadd.s32 $0x200, s11  }
0xab: {  	[spmem:s4] =	stream.indirect.scatter.add.f32 [tilespmem:s12], [sflag:$0x2], $0x1, s13, s8, $0xb8;
	[tilespmem:$0xA780] =	vst v63  }
0xac: {  	s12 =	sadd.s32 $0x5280, s11;
	s13 =	sadd.s32 $0x280, s11  }
0xad: {  	[spmem:s4] =	stream.indirect.scatter.add.f32 [tilespmem:s12], [sflag:$0x2], $0x1, s13, s8, $0xb8;
	[tilespmem:$0xA780] =	vst v63  }
0xae: {  	s12 =	sadd.s32 $0x5300, s11;
	s13 =	sadd.s32 $0x300, s11  }
0xaf: {  	[spmem:s4] =	stream.indirect.scatter.add.f32 [tilespmem:s12], [sflag:$0x2], $0x1, s13, s8, $0xb8;
	[tilespmem:$0xA780] =	vst v63  }
0xb0: {  	s12 =	sadd.s32 $0x5380, s11;
	s13 =	sadd.s32 $0x380, s11  }
0xb1: {  	[spmem:s4] =	stream.indirect.scatter.add.f32 [tilespmem:s12], [sflag:$0x2], $0x1, s13, s8, $0xb8;
	[tilespmem:$0xA780] =	vst v63  }
0xb2: {  	s12 =	sadd.s32 $0x5400, s11;
	s13 =	sadd.s32 $0x400, s11  }
0xb3: {  	[spmem:s4] =	stream.indirect.scatter.add.f32 [tilespmem:s12], [sflag:$0x2], $0x1, s13, s8, $0xb8;
	[tilespmem:$0xA780] =	vst v63  }
0xb4: {  	s12 =	sadd.s32 $0x5480, s11;
	s13 =	sadd.s32 $0x480, s11  }
0xb5: {  	[spmem:s4] =	stream.indirect.scatter.add.f32 [tilespmem:s12], [sflag:$0x2], $0x1, s13, s8, $0xb8;
	[tilespmem:$0xA780] =	vst v63  }
0xb6: {  	s12 =	sadd.s32 $0x5500, s11;
	s13 =	sadd.s32 $0x500, s11  }
0xb7: {  	[spmem:s4] =	stream.indirect.scatter.add.f32 [tilespmem:s12], [sflag:$0x2], $0x1, s13, s8, $0xb8;
	[tilespmem:$0xA780] =	vst v63  }
0xb8: {  	s12 =	sadd.s32 $0x5580, s11;
	s13 =	sadd.s32 $0x580, s11  }
0xb9: {  	[spmem:s4] =	stream.indirect.scatter.add.f32 [tilespmem:s12], [sflag:$0x2], $0x1, s13, s8, $0xb8;
	[tilespmem:$0xA780] =	vst v63  }
0xba: {  	s12 =	sadd.s32 $0x5600, s11;
	s13 =	sadd.s32 $0x600, s11  }
0xbb: {  	[spmem:s4] =	stream.indirect.scatter.add.f32 [tilespmem:s12], [sflag:$0x2], $0x1, s13, s8, $0xb8;
	[tilespmem:$0xA780] =	vst v63  }
0xbc: {  	s12 =	sadd.s32 $0x5680, s11;
	s13 =	sadd.s32 $0x680, s11  }
0xbd: {  	[spmem:s4] =	stream.indirect.scatter.add.f32 [tilespmem:s12], [sflag:$0x2], $0x1, s13, s8, $0xb8;
	[tilespmem:$0xA780] =	vst v63  }
0xbe: {  	s12 =	sadd.s32 $0x5700, s11;
	s13 =	sadd.s32 $0x700, s11  }
0xbf: {  	[spmem:s4] =	stream.indirect.scatter.add.f32 [tilespmem:s12], [sflag:$0x2], $0x1, s13, s8, $0xb8;
	[tilespmem:$0xA780] =	vst v63  }
0xc0: {  	s12 =	sadd.s32 $0x5780, s11;
	s13 =	sadd.s32 $0x780, s11  }
0xc1: {  	[spmem:s4] =	stream.indirect.scatter.add.f32 [tilespmem:s12], [sflag:$0x2], $0x1, s13, s8, $0xb8;
	[tilespmem:$0xA780] =	vst v63  }
0xc2: {  	s12 =	sadd.s32 $0x5800, s11;
	s13 =	sadd.s32 $0x800, s11  }
0xc3: {  	[spmem:s4] =	stream.indirect.scatter.add.f32 [tilespmem:s12], [sflag:$0x2], $0x1, s13, s8, $0xb8;
	[tilespmem:$0xA780] =	vst v63  }
0xc4: {  	s12 =	sadd.s32 $0x5880, s11;
	s13 =	sadd.s32 $0x880, s11  }
0xc5: {  	[spmem:s4] =	stream.indirect.scatter.add.f32 [tilespmem:s12], [sflag:$0x2], $0x1, s13, s8, $0xb8;
	[tilespmem:$0xA780] =	vst v63  }
0xc6: {  	s12 =	sadd.s32 $0x5900, s11;
	s13 =	sadd.s32 $0x900, s11  }
0xc7: {  	[spmem:s4] =	stream.indirect.scatter.add.f32 [tilespmem:s12], [sflag:$0x2], $0x1, s13, s8, $0xb8;
	[tilespmem:$0xA780] =	vst v63  }
0xc8: {  	s12 =	sadd.s32 $0x5980, s11;
	s11 =	sadd.s32 $0x980, s11  }
0xc9: {  	[spmem:s4] =	stream.indirect.scatter.add.f32 [tilespmem:s12], [sflag:$0x2], $0x1, s11, s8, $0xb8;
	[tilespmem:$0xA780] =	vst v63  }
0xca: {  	_ =	swait.ge [sflag:s7], $0x80  }
0xcb: {  	[sflag:s7] =	ssyncset.done $0x0  }
0xcc: {  	[sflag:s7] =	ssyncadd.s32 $0xFFFFFF80  }
0xcd: {  	_ =	swait.ge [sflag:s7], $0x80  }
0xce: {  	[sflag:s7] =	ssyncset.done $0x0  }
0xcf: {  	[sflag:s7] =	ssyncadd.s32 $0xFFFFFF80  }
0xd0: {  	_ =	swait.ge [sflag:s7], $0x80  }
0xd1: {  	[sflag:s7] =	ssyncset.done $0x0  }
0xd2: {  	[sflag:s7] =	ssyncadd.s32 $0xFFFFFF80  }
0xd3: {  	_ =	swait.ge [sflag:s7], $0x80  }
0xd4: {  	[sflag:s7] =	ssyncset.done $0x0  }
0xd5: {  	[sflag:s7] =	ssyncadd.s32 $0xFFFFFF80  }
0xd6: {  	_ =	swait.ge [sflag:s7], $0x80  }
0xd7: {  	[sflag:s7] =	ssyncset.done $0x0  }
0xd8: {  	[sflag:s7] =	ssyncadd.s32 $0xFFFFFF80  }
0xd9: {  	_ =	swait.ge [sflag:s7], $0x80  }
0xda: {  	[sflag:s7] =	ssyncset.done $0x0  }
0xdb: {  	[sflag:s7] =	ssyncadd.s32 $0xFFFFFF80  }
0xdc: {  	_ =	swait.ge [sflag:s7], $0x80  }
0xdd: {  	[sflag:s7] =	ssyncset.done $0x0  }
0xde: {  	[sflag:s7] =	ssyncadd.s32 $0xFFFFFF80  }
0xdf: {  	_ =	swait.ge [sflag:s7], $0x80  }
0xe0: {  	[sflag:s7] =	ssyncset.done $0x0  }
0xe1: {  	[sflag:s7] =	ssyncadd.s32 $0xFFFFFF80  }
0xe2: {  	_ =	swait.ge [sflag:s7], $0x80  }
0xe3: {  	[sflag:s7] =	ssyncset.done $0x0  }
0xe4: {  	[sflag:s7] =	ssyncadd.s32 $0xFFFFFF80  }
0xe5: {  	_ =	swait.ge [sflag:s7], $0x80  }
0xe6: {  	[sflag:s7] =	ssyncset.done $0x0  }
0xe7: {  	[sflag:s7] =	ssyncadd.s32 $0xFFFFFF80  }
0xe8: {  	_ =	swait.ge [sflag:s7], $0x80  }
0xe9: {  	[sflag:s7] =	ssyncset.done $0x0  }
0xea: {  	[sflag:s7] =	ssyncadd.s32 $0xFFFFFF80  }
0xeb: {  	_ =	swait.ge [sflag:s7], $0x80  }
0xec: {  	[sflag:s7] =	ssyncset.done $0x0  }
0xed: {  	[sflag:s7] =	ssyncadd.s32 $0xFFFFFF80  }
0xee: {  	_ =	swait.ge [sflag:s7], $0x80  }
0xef: {  	[sflag:s7] =	ssyncset.done $0x0  }
0xf0: {  	[sflag:s7] =	ssyncadd.s32 $0xFFFFFF80  }
0xf1: {  	_ =	swait.ge [sflag:s7], $0x80  }
0xf2: {  	[sflag:s7] =	ssyncset.done $0x0  }
0xf3: {  	[sflag:s7] =	ssyncadd.s32 $0xFFFFFF80  }
0xf4: {  	_ =	swait.ge [sflag:s7], $0x80  }
0xf5: {  	[sflag:s7] =	ssyncset.done $0x0  }
0xf6: {  	[sflag:s7] =	ssyncadd.s32 $0xFFFFFF80  }
0xf7: {  	_ =	swait.ge [sflag:s7], $0x80  }
0xf8: {  	[sflag:s7] =	ssyncset.done $0x0  }
0xf9: {  	[sflag:s7] =	ssyncadd.s32 $0xFFFFFF80  }
0xfa: {  	_ =	swait.ge [sflag:s7], $0x80  }
0xfb: {  	[sflag:s7] =	ssyncset.done $0x0  }
0xfc: {  	[sflag:s7] =	ssyncadd.s32 $0xFFFFFF80  }
0xfd: {  	_ =	swait.ge [sflag:s7], $0x80  }
0xfe: {  	[sflag:s7] =	ssyncset.done $0x0  }
0xff: {  	[sflag:s7] =	ssyncadd.s32 $0xFFFFFF80  }
.Ltmp2:
0x100: {  	_ =	swait.ge [sflag:s7], $0x80;
	(pc) =	sbr.rel @!p1 .LBB2_2-.Ltmp2, $4  }
0x101: {  	[sflag:s7] =	ssyncset.done $0x0  }
0x102: {  	[sflag:s7] =	ssyncadd.s32 $0xFFFFFF80  }
0x103: {  	s10 =	sadd.s32 $0x2800, s10;
	_ =	swait.ge [sflag:s7], $0x80  }
0x104: {  	s11 =	sshra.s32 s10, $0x2;
	[sflag:s7] =	ssyncset.done $0x0  }
.LBB2_3:
0x105: {  	s9 =	sadd.s32 $0x5000, s11;
	[sflag:s7] =	ssyncadd.s32 @p0 $0xFFFFFF80  }
0x106: {  	[spmem:s4] =	stream.indirect.scatter.add.f32 [tilespmem:s9], [sflag:$0x2], $0x1, s11, s8, $0xb8;
	[tilespmem:$0xA780] =	vst v63  }
0x107: {  	s14 =	sadd.s32 $0x5080, s11;
	s10 =	sadd.s32 $0x80, s11  }
0x108: {  	[spmem:s4] =	stream.indirect.scatter.add.f32 [tilespmem:s14], [sflag:$0x2], $0x1, s10, s8, $0xb8;
	[tilespmem:$0xA780] =	vst v63  }
0x109: {  	s15 =	sadd.s32 $0x5100, s11;
	s16 =	sadd.s32 $0x100, s11  }
0x10a: {  	[spmem:s4] =	stream.indirect.scatter.add.f32 [tilespmem:s15], [sflag:$0x2], $0x1, s16, s8, $0xb8;
	[tilespmem:$0xA780] =	vst v63  }
0x10b: {  	s17 =	sadd.s32 $0x5180, s11;
	s18 =	sadd.s32 $0x180, s11  }
0x10c: {  	[spmem:s4] =	stream.indirect.scatter.add.f32 [tilespmem:s17], [sflag:$0x2], $0x1, s18, s8, $0xb8;
	[tilespmem:$0xA780] =	vst v63  }
0x10d: {  	s19 =	sadd.s32 $0x5200, s11;
	s20 =	sadd.s32 $0x200, s11  }
0x10e: {  	[spmem:s4] =	stream.indirect.scatter.add.f32 [tilespmem:s19], [sflag:$0x2], $0x1, s20, s8, $0xb8;
	[tilespmem:$0xA780] =	vst v63  }
0x10f: {  	s21 =	sadd.s32 $0x5280, s11;
	s22 =	sadd.s32 $0x280, s11  }
0x110: {  	[spmem:s4] =	stream.indirect.scatter.add.f32 [tilespmem:s21], [sflag:$0x2], $0x1, s22, s8, $0xb8;
	[tilespmem:$0xA780] =	vst v63  }
0x111: {  	s23 =	sadd.s32 $0x5300, s11;
	s24 =	sadd.s32 $0x300, s11  }
0x112: {  	[spmem:s4] =	stream.indirect.scatter.add.f32 [tilespmem:s23], [sflag:$0x2], $0x1, s24, s8, $0xb8;
	[tilespmem:$0xA780] =	vst v63  }
0x113: {  	s25 =	sadd.s32 $0x5380, s11;
	s26 =	sadd.s32 $0x380, s11  }
0x114: {  	[spmem:s4] =	stream.indirect.scatter.add.f32 [tilespmem:s25], [sflag:$0x2], $0x1, s26, s8, $0xb8;
	[tilespmem:$0xA780] =	vst v63  }
0x115: {  	s28 =	sadd.s32 $0x5400, s11;
	s29 =	sadd.s32 $0x400, s11  }
0x116: {  	[spmem:s4] =	stream.indirect.scatter.add.f32 [tilespmem:s28], [sflag:$0x2], $0x1, s29, s8, $0xb8;
	[tilespmem:$0xA780] =	vst v63  }
0x117: {  	s30 =	sadd.s32 $0x5480, s11;
	s31 =	sadd.s32 $0x480, s11  }
0x118: {  	[spmem:s4] =	stream.indirect.scatter.add.f32 [tilespmem:s30], [sflag:$0x2], $0x1, s31, s8, $0xb8;
	[tilespmem:$0xA780] =	vst v63  }
0x119: {  	s12 =	sadd.s32 $0x500, s11;
	s10 =	sadd.s32 $0x5500, s11  }
0x11a: {  	[spmem:s4] =	stream.indirect.scatter.add.f32 [tilespmem:s10], [sflag:$0x2], $0x1, s12, s8, $0xb8;
	[tilespmem:$0xA780] =	vst v63  }
0x11b: {  	s13 =	sadd.s32 $0x5580, s11;
	s14 =	sadd.s32 $0x580, s11  }
0x11c: {  	[spmem:s4] =	stream.indirect.scatter.add.f32 [tilespmem:s13], [sflag:$0x2], $0x1, s14, s8, $0xb8;
	[tilespmem:$0xA780] =	vst v63  }
0x11d: {  	s15 =	sadd.s32 $0x5600, s11;
	s16 =	sadd.s32 $0x600, s11  }
0x11e: {  	[spmem:s4] =	stream.indirect.scatter.add.f32 [tilespmem:s15], [sflag:$0x2], $0x1, s16, s8, $0xb8;
	[tilespmem:$0xA780] =	vst v63  }
0x11f: {  	s17 =	sadd.s32 $0x5680, s11;
	s18 =	sadd.s32 $0x680, s11  }
0x120: {  	[spmem:s4] =	stream.indirect.scatter.add.f32 [tilespmem:s17], [sflag:$0x2], $0x1, s18, s8, $0xb8;
	[tilespmem:$0xA780] =	vst v63  }
0x121: {  	s19 =	sadd.s32 $0x5700, s11;
	s20 =	sadd.s32 $0x700, s11  }
0x122: {  	[spmem:s4] =	stream.indirect.scatter.add.f32 [tilespmem:s19], [sflag:$0x2], $0x1, s20, s8, $0xb8;
	[tilespmem:$0xA780] =	vst v63  }
0x123: {  	s21 =	sadd.s32 $0x5780, s11;
	s22 =	sadd.s32 $0x780, s11  }
0x124: {  	[spmem:s4] =	stream.indirect.scatter.add.f32 [tilespmem:s21], [sflag:$0x2], $0x1, s22, s8, $0xb8;
	[tilespmem:$0xA780] =	vst v63  }
0x125: {  	s23 =	sadd.s32 $0x5800, s11;
	s24 =	sadd.s32 $0x800, s11  }
0x126: {  	[spmem:s4] =	stream.indirect.scatter.add.f32 [tilespmem:s23], [sflag:$0x2], $0x1, s24, s8, $0xb8;
	[tilespmem:$0xA780] =	vst v63  }
0x127: {  	s25 =	sadd.s32 $0x5880, s11;
	s26 =	sadd.s32 $0x880, s11  }
0x128: {  	[spmem:s4] =	stream.indirect.scatter.add.f32 [tilespmem:s25], [sflag:$0x2], $0x1, s26, s8, $0xb8;
	[tilespmem:$0xA780] =	vst v63  }
0x129: {  	s28 =	sadd.s32 $0x5900, s11;
	s29 =	sadd.s32 $0x900, s11  }
0x12a: {  	[spmem:s4] =	stream.indirect.scatter.add.f32 [tilespmem:s28], [sflag:$0x2], $0x1, s29, s8, $0xb8;
	[tilespmem:$0xA780] =	vst v63  }
0x12b: {  	s30 =	sadd.s32 $0x5980, s11;
	s31 =	sadd.s32 $0x980, s11  }
0x12c: {  	[spmem:s4] =	stream.indirect.scatter.add.f32 [tilespmem:s30], [sflag:$0x2], $0x1, s31, s8, $0xb8;
	[tilespmem:$0xA780] =	vst v63  }
0x12d: {  	_ =	swait.ge [sflag:s7], $0x80  }
0x12e: {  	[sflag:s7] =	ssyncset.done $0x0  }
0x12f: {  	[sflag:s7] =	ssyncadd.s32 $0xFFFFFF80  }
0x130: {  	_ =	swait.ge [sflag:s7], $0x80  }
0x131: {  	[sflag:s7] =	ssyncset.done $0x0  }
0x132: {  	[sflag:s7] =	ssyncadd.s32 $0xFFFFFF80  }
0x133: {  	_ =	swait.ge [sflag:s7], $0x80  }
0x134: {  	[sflag:s7] =	ssyncset.done $0x0  }
0x135: {  	[sflag:s7] =	ssyncadd.s32 $0xFFFFFF80  }
0x136: {  	_ =	swait.ge [sflag:s7], $0x80  }
0x137: {  	[sflag:s7] =	ssyncset.done $0x0  }
0x138: {  	[sflag:s7] =	ssyncadd.s32 $0xFFFFFF80  }
0x139: {  	_ =	swait.ge [sflag:s7], $0x80  }
0x13a: {  	[sflag:s7] =	ssyncset.done $0x0  }
0x13b: {  	[sflag:s7] =	ssyncadd.s32 $0xFFFFFF80  }
0x13c: {  	_ =	swait.ge [sflag:s7], $0x80  }
0x13d: {  	[sflag:s7] =	ssyncset.done $0x0  }
0x13e: {  	[sflag:s7] =	ssyncadd.s32 $0xFFFFFF80  }
0x13f: {  	_ =	swait.ge [sflag:s7], $0x80  }
0x140: {  	[sflag:s7] =	ssyncset.done $0x0  }
0x141: {  	[sflag:s7] =	ssyncadd.s32 $0xFFFFFF80  }
0x142: {  	_ =	swait.ge [sflag:s7], $0x80  }
0x143: {  	[sflag:s7] =	ssyncset.done $0x0  }
0x144: {  	[sflag:s7] =	ssyncadd.s32 $0xFFFFFF80  }
0x145: {  	_ =	swait.ge [sflag:s7], $0x80  }
0x146: {  	[sflag:s7] =	ssyncset.done $0x0  }
0x147: {  	[sflag:s7] =	ssyncadd.s32 $0xFFFFFF80  }
0x148: {  	_ =	swait.ge [sflag:s7], $0x80  }
0x149: {  	[sflag:s7] =	ssyncset.done $0x0  }
0x14a: {  	[sflag:s7] =	ssyncadd.s32 $0xFFFFFF80  }
0x14b: {  	_ =	swait.ge [sflag:s7], $0x80  }
0x14c: {  	[sflag:s7] =	ssyncset.done $0x0  }
0x14d: {  	[sflag:s7] =	ssyncadd.s32 $0xFFFFFF80  }
0x14e: {  	_ =	swait.ge [sflag:s7], $0x80  }
0x14f: {  	[sflag:s7] =	ssyncset.done $0x0  }
0x150: {  	[sflag:s7] =	ssyncadd.s32 $0xFFFFFF80  }
0x151: {  	_ =	swait.ge [sflag:s7], $0x80  }
0x152: {  	[sflag:s7] =	ssyncset.done $0x0  }
0x153: {  	[sflag:s7] =	ssyncadd.s32 $0xFFFFFF80  }
0x154: {  	_ =	swait.ge [sflag:s7], $0x80  }
0x155: {  	[sflag:s7] =	ssyncset.done $0x0  }
0x156: {  	[sflag:s7] =	ssyncadd.s32 $0xFFFFFF80  }
0x157: {  	_ =	swait.ge [sflag:s7], $0x80  }
0x158: {  	[sflag:s7] =	ssyncset.done $0x0  }
0x159: {  	[sflag:s7] =	ssyncadd.s32 $0xFFFFFF80  }
0x15a: {  	_ =	swait.ge [sflag:s7], $0x80  }
0x15b: {  	[sflag:s7] =	ssyncset.done $0x0  }
0x15c: {  	[sflag:s7] =	ssyncadd.s32 $0xFFFFFF80  }
0x15d: {  	_ =	swait.ge [sflag:s7], $0x80  }
0x15e: {  	[sflag:s7] =	ssyncset.done $0x0  }
0x15f: {  	[sflag:s7] =	ssyncadd.s32 $0xFFFFFF80  }
0x160: {  	_ =	swait.ge [sflag:s7], $0x80  }
0x161: {  	[sflag:s7] =	ssyncset.done $0x0  }
0x162: {  	[sflag:s7] =	ssyncadd.s32 $0xFFFFFF80  }
0x163: {  	_ =	swait.ge [sflag:s7], $0x80  }
0x164: {  	[sflag:s7] =	ssyncset.done $0x0  }
0x165: {  	[sflag:s7] =	ssyncadd.s32 $0xFFFFFF80  }
0x166: {  	_ =	swait.ge [sflag:s7], $0x80  }
0x167: {  	[sflag:s7] =	ssyncset.done $0x0  }
0x168: {  	p0 =	seq.s32 s0, $0xF;
	[sflag:s7] =	ssyncadd.s32 $0xFFFFFF80  }
0x169: {  	s4 =	simm.s32 @p0 $0xA280;
	[bflag:$0x0] =	sbarrier.arrive $0xFFFF  }
0x16a: {  	[tilespmem:s4], [sflag:$0x3] =	stream.linear.gather @p0 [spmem:s6], $0x190, $0x38;
	[tilespmem:$0xA780] =	vst v63  }
0x16b: {  	s6 =	simm.s32 @p0 $0x3  }
0x16c: {  	_ =	swait.ge @p0 [sflag:s6], $0x190  }
0x16d: {  	[sflag:s6] =	ssyncset.done @p0 $0x0  }
0x16e: {  	s7 =	simm.s32 @p0 $0x0;
	[sflag:s6] =	ssyncadd.s32 @p0 $0xFFFFFE70  }
0x16f: {  	[hbm4b:s5+s7] =	stream.linear.scatter @p0 [tilespmem:s4], [sflag:$0x3], $0x190, $0x38;
	[tilespmem:$0xA780] =	vst v63  }
0x170: {  	_ =	swait.ge @p0 [sflag:s6], $0x190  }
0x171: {  	[sflag:s6] =	ssyncset.done @p0 $0x0  }
0x172: {  	s4 =	simm.s32 @!p0 $0xA280;
	[sflag:s6] =	ssyncadd.s32 @p0 $0xFFFFFE70  }
0x173: {  	[tilespmem:s4], [sflag:$0x3] =	stream.linear.gather @!p0 [spmem:s2], $0x280, $0x38;
	[tilespmem:$0xA780] =	vst v63  }
0x174: {  	s2 =	simm.s32 @!p0 $0x3  }
0x175: {  	_ =	swait.ge @!p0 [sflag:s2], $0x280  }
0x176: {  	[sflag:s2] =	ssyncset.done @!p0 $0x0  }
0x177: {  	s5 =	simm.s32 @!p0 $0x0;
	[sflag:s2] =	ssyncadd.s32 @!p0 $0xFFFFFD80  }
0x178: {  	[hbm4b:s3+s5] =	stream.linear.scatter @!p0 [tilespmem:s4], [sflag:$0x3], $0x280, $0x38;
	[tilespmem:$0xA780] =	vst v63  }
0x179: {  	_ =	swait.ge @!p0 [sflag:s2], $0x280  }
0x17a: {  	[sflag:s2] =	ssyncset.done @!p0 $0x0  }
0x17b: {  	[sflag:s2] =	ssyncadd.s32 @!p0 $0xFFFFFD80  }
0x17c: {  	_ =	sfence.sel $0x180000  }
0x17d: {  	[bflag:$0x0] =	sbarrier.arrive $0xFFFF  }
0x17e: {  	p0 =	sne.s32 s0, $0x0;
	_ =	strace $0x90000047  }
0x17f: {  	s0 =	sadd.s32 @!p0 $0x100000, s1;
	[bflag:$0x2] =	sbarrier.arrive $0xFFFF  }
0x180: {  	[sflag:s0] =	ssyncadd.tile.s32 @!p0 $0x1;
	_ =	shalt  }
.Lfunc_end2:
_tile_overlayer_lowered:
.L_overlay_start_2:
0x181: {  	(tag) =	ssettag $0x2  }
0x182: {  	s0 =	rddreg [dreg:$0x0];
	s2 =	stileid.u32  }
0x183: {  	s1 =	rddreg [dreg:$0x1];
	p0 =	sne.s32 s2, $0x0  }
0x184: {  	s3 =	rddreg [dreg:$0x2];
	[bflag:$0x3] =	sbarrier.arrive $0xFFFF;
	s2 =	simm.s32 @!p0 $0x1C03  }
0x185: {  	[timem:s3], [sflag:s2] =	dma.local @!p0 [hbm:s0], s1  }
0x186: {  	s0 =	simm.s32 @!p0 $0x3  }
0x187: {  	_ =	swait.ge @!p0 [sflag:s0], s1  }
0x188: {  	s1 =	ssub.s32 @!p0 $0x0, s1;
	[sflag:s0] =	ssyncset.done @!p0 $0x0  }
0x189: {  	[sflag:s0] =	ssyncadd.s32 @!p0 s1  }
0x18a: {  	[bflag:$0x3] =	sbarrier.arrive $0xFFFF  }
0x18b: {  	_ =	shalt  }

</sc_bundles>
